<compile_context>
chip_gen: v7x
topology: tpu7x:2x2x1
jax: 0.10.2.dev20260603
libtpu: 0.0.44.dev20260713+nightly
codegen_flags: <defaults>
</compile_context>

<pallas_src>
import functools

import jax
import jax.numpy as jnp
from jax import lax
from jax.experimental import pallas as pl
from jax.experimental.pallas import tpu as pltpu
from jax.experimental.pallas import tpu_sc as plsc


@functools.cache
def _make_gather(V, D, B):
    _info = plsc.get_sparse_core_info()
    _NC, _NS, _L = _info.num_cores, _info.num_subcores, _info.num_lanes
    _NW = _NC * _NS
    b_per_w = B // _NW
    n_groups = b_per_w // _L
    mesh = plsc.VectorSubcoreMesh(core_axis_name="c", subcore_axis_name="s")

    @functools.partial(
        pl.kernel,
        mesh=mesh,
        out_type=(
            jax.ShapeDtypeStruct((B, D), jnp.float32),
            jax.ShapeDtypeStruct((B, D), jnp.float32),
        ),
        scratch_types=[
            pltpu.VMEM((b_per_w,), jnp.int32),
            pltpu.VMEM((b_per_w,), jnp.int32),
            pltpu.VMEM((b_per_w, D), jnp.float32),
            pltpu.VMEM((b_per_w, D), jnp.float32),
            pltpu.SemaphoreType.DMA,
            pltpu.SemaphoreType.DMA,
        ],
    )
    def gather(src_hbm, tgt_hbm, sidx_hbm, tidx_hbm, xs_out, ys_out,
               sidx_v, tidx_v, srows_v, trows_v, sem1, sem2):
        wid = lax.axis_index("s") * _NC + lax.axis_index("c")
        base = wid * b_per_w
        pltpu.sync_copy(sidx_hbm.at[pl.ds(base, b_per_w)], sidx_v)
        pltpu.sync_copy(tidx_hbm.at[pl.ds(base, b_per_w)], tidx_v)

        @pl.loop(0, n_groups)
        def _(g):
            off = g * _L
            sv = sidx_v[pl.ds(off, _L)]
            for j in range(_L):
                pltpu.async_copy(
                    src_hbm.at[pl.ds(sv[j], 1)],
                    srows_v.at[pl.ds(off + j, 1)], sem1)

        @pl.loop(0, n_groups)
        def _(g):
            off = g * _L
            tv = tidx_v[pl.ds(off, _L)]
            for j in range(_L):
                pltpu.async_copy(
                    tgt_hbm.at[pl.ds(tv[j], 1)],
                    trows_v.at[pl.ds(off + j, 1)], sem2)

        pltpu.make_async_copy(
            src_hbm.at[pl.ds(0, b_per_w)], srows_v, sem1).wait()
        pltpu.make_async_copy(
            tgt_hbm.at[pl.ds(0, b_per_w)], trows_v, sem2).wait()
        pltpu.sync_copy(srows_v, xs_out.at[pl.ds(base, b_per_w)])
        pltpu.sync_copy(trows_v, ys_out.at[pl.ds(base, b_per_w)])

    return gather


@functools.cache
def _make_loss(B, D, BLK):
    NB = B // BLK

    def body(xs_ref, ys_ref, out_ref):
        i = pl.program_id(0)
        x = xs_ref[...]
        y = ys_ref[...]
        logits = lax.dot_general(
            x, y, (((1,), (1,)), ((), ())),
            preferred_element_type=jnp.float32)
        m = jnp.max(logits, axis=1)
        e = jnp.exp(logits - m[:, None])
        s = jnp.sum(e, axis=1)
        lse = m + jnp.log(s)
        row = lax.broadcasted_iota(jnp.int32, (BLK, B), 0)
        col = lax.broadcasted_iota(jnp.int32, (BLK, B), 1)
        picked = jnp.sum(jnp.where(col == row + i * BLK, logits, 0.0), axis=1)
        part = jnp.sum(lse - picked)

        @pl.when(i == 0)
        def _():
            out_ref[0] = 0.0

        out_ref[0] += part

        @pl.when(i == NB - 1)
        def _():
            out_ref[0] = out_ref[0] * (1.0 / B)

    return pl.pallas_call(
        body,
        grid=(NB,),
        in_specs=[
            pl.BlockSpec((BLK, D), lambda i: (i, 0)),
            pl.BlockSpec((B, D), lambda i: (0, 0)),
        ],
        out_specs=pl.BlockSpec(memory_space=pltpu.SMEM),
        out_shape=jax.ShapeDtypeStruct((1,), jnp.float32),
    )


def kernel(src_table, tgt_table, src_words, tgt_words):
    V, D = src_table.shape
    B = src_words.shape[0]
    xs, ys = _make_gather(V, D, B)(src_table, tgt_table, src_words, tgt_words)
    loss = _make_loss(B, D, 512)(xs, ys)[0]
    return (loss, xs)

# --- scband reference (transcript-rebuilt; emitter-appended) ---
"""Pipeline reference for scband-word2-vec-37538014167771 (READ-ONLY COPY).

The authoritative reference and input builder live on the scoring server;
editing this copy changes nothing except your own understanding.
"""

import jax, jax.numpy as jnp
import numpy as np

VOCAB = 1000000
DIM = 64
BATCH = 4096


def setup_inputs(seed: int = 0) -> dict:
    key = jax.random.key(seed)
    k1, k2, k3, k4 = jax.random.split(key, 4)
    src_words = jax.random.randint(k1, (BATCH,), 0, VOCAB, dtype=jnp.int64 if jax.config.jax_enable_x64 else jnp.int32).astype(jnp.int32)
    tgt_words = jax.random.randint(k2, (BATCH,), 0, VOCAB, dtype=jnp.int64 if jax.config.jax_enable_x64 else jnp.int32).astype(jnp.int32)
    src_table = jax.random.normal(k3, (VOCAB, DIM), dtype=jnp.float32) * 0.02
    tgt_table = jax.random.normal(k4, (VOCAB, DIM), dtype=jnp.float32) * 0.02
    return {"src_table": src_table, "tgt_table": tgt_table, "src_words": src_words, "tgt_words": tgt_words}


def _cross_entropy(logits, gold):
    lse = jax.scipy.special.logsumexp(logits, axis=1)
    picked = jnp.take_along_axis(logits, gold[:, None], axis=1)[:, 0]
    return jnp.mean(lse - picked)


def reference(src_table, tgt_table, src_words, tgt_words):
    # embedding lookups (gather)
    xs_embed = jnp.take(src_table, src_words, axis=0)
    ys_embed = jnp.take(tgt_table, tgt_words, axis=0)
    batch_size = xs_embed.shape[0]
    pred = jnp.matmul(xs_embed, ys_embed.T)
    gold = jnp.arange(batch_size, dtype=jnp.int32)
    loss = _cross_entropy(pred, gold)
    # use_bidirectional_loss=False -> single-direction loss
    return (loss, xs_embed)

if __name__ == "__main__":
    import jax
    _d = setup_inputs()
    print(jax.jit(kernel)(*tuple(_d.values())))

</pallas_src>

<mosaic_0001>
#map = affine_map<(d0, d1) -> (0, 0)>
#map1 = affine_map<(d0, d1) -> (0)>
module attributes {stable_mosaic.version = 14 : i64} {
  func.func @gather(%arg0: i32, %arg1: i32, %arg2: memref<1000000x64xf32, #tpu.memory_space<hbm>>, %arg3: memref<1000000x64xf32, #tpu.memory_space<hbm>>, %arg4: memref<4096xi32, #tpu.memory_space<hbm>>, %arg5: memref<4096xi32, #tpu.memory_space<hbm>>, %arg6: memref<4096x64xf32, #tpu.memory_space<hbm>>, %arg7: memref<4096x64xf32, #tpu.memory_space<hbm>>, %arg8: memref<128xi32, #tpu.memory_space<vmem>>, %arg9: memref<128xi32, #tpu.memory_space<vmem>>, %arg10: memref<128x64xf32, #tpu.memory_space<vmem>>, %arg11: memref<128x64xf32, #tpu.memory_space<vmem>>, %arg12: memref<!tpu.dma_semaphore, #tpu.memory_space<semaphore_mem>>, %arg13: memref<!tpu.dma_semaphore, #tpu.memory_space<semaphore_mem>>) attributes {dimension_semantics = [#tpu.dimension_semantics<core_parallel>, #tpu.dimension_semantics<subcore_parallel>], iteration_bounds = array<i64: 2, 16>, scalar_prefetch = 0 : i64, scratch_operands = 6 : i64, tpu.core_type = #tpu.core_type<sc_vector_subcore>, window_params = [{transform_indices = #map}, {transform_indices = #map}, {transform_indices = #map1}, {transform_indices = #map1}, {transform_indices = #map}, {transform_indices = #map}]} {
    %mul3A = arith.constant 2 : i32
    %mul3A_0 = arith.muli %arg1, %mul3A : i32
    %add3A = arith.addi %mul3A_0, %arg0 : i32
    %mul3A_1 = arith.constant 128 : i32
    %mul3A_2 = arith.muli %add3A, %mul3A_1 : i32
    "tpu.region"() ({
      %run_scoped3A = tpu.sem_alloc : memref<!tpu.dma_semaphore, #tpu.memory_space<semaphore_mem>>
      %dma_start3A = tpu.memref_slice %arg4[%mul3A_2] : memref<4096xi32, #tpu.memory_space<hbm>> -> memref<128xi32, #tpu.memory_space<hbm>>
      %dma_start3A_23 = tpu.memref_slice %arg4[%mul3A_2] : memref<4096xi32, #tpu.memory_space<hbm>> -> memref<128xi32, #tpu.memory_space<hbm>>
      tpu.enqueue_dma source(%dma_start3A_23 : memref<128xi32, #tpu.memory_space<hbm>>) target(%arg8 : memref<128xi32, #tpu.memory_space<vmem>>) target_semaphore(%run_scoped3A : memref<!tpu.dma_semaphore, #tpu.memory_space<semaphore_mem>>)
      %dma_wait3A_24 = tpu.memref_slice %arg4[%mul3A_2] : memref<4096xi32, #tpu.memory_space<hbm>> -> memref<128xi32, #tpu.memory_space<hbm>>
      %dma_wait3A_25 = tpu.memref_slice %arg4[%mul3A_2] : memref<4096xi32, #tpu.memory_space<hbm>> -> memref<128xi32, #tpu.memory_space<hbm>>
      tpu.wait_dma2 semaphore(%run_scoped3A : memref<!tpu.dma_semaphore, #tpu.memory_space<semaphore_mem>>) src(%dma_wait3A_25 : memref<128xi32, #tpu.memory_space<hbm>>) dst(%arg8 : memref<128xi32, #tpu.memory_space<vmem>>)
      tpu.yield
    }) : () -> ()
    "tpu.region"() ({
      %run_scoped3A = tpu.sem_alloc : memref<!tpu.dma_semaphore, #tpu.memory_space<semaphore_mem>>
      %dma_start3A = tpu.memref_slice %arg5[%mul3A_2] : memref<4096xi32, #tpu.memory_space<hbm>> -> memref<128xi32, #tpu.memory_space<hbm>>
      %dma_start3A_23 = tpu.memref_slice %arg5[%mul3A_2] : memref<4096xi32, #tpu.memory_space<hbm>> -> memref<128xi32, #tpu.memory_space<hbm>>
      tpu.enqueue_dma source(%dma_start3A_23 : memref<128xi32, #tpu.memory_space<hbm>>) target(%arg9 : memref<128xi32, #tpu.memory_space<vmem>>) target_semaphore(%run_scoped3A : memref<!tpu.dma_semaphore, #tpu.memory_space<semaphore_mem>>)
      %dma_wait3A_24 = tpu.memref_slice %arg5[%mul3A_2] : memref<4096xi32, #tpu.memory_space<hbm>> -> memref<128xi32, #tpu.memory_space<hbm>>
      %dma_wait3A_25 = tpu.memref_slice %arg5[%mul3A_2] : memref<4096xi32, #tpu.memory_space<hbm>> -> memref<128xi32, #tpu.memory_space<hbm>>
      tpu.wait_dma2 semaphore(%run_scoped3A : memref<!tpu.dma_semaphore, #tpu.memory_space<semaphore_mem>>) src(%dma_wait3A_25 : memref<128xi32, #tpu.memory_space<hbm>>) dst(%arg9 : memref<128xi32, #tpu.memory_space<vmem>>)
      tpu.yield
    }) : () -> ()
    %scan3A = arith.constant 0 : i32
    %scan3A_3 = arith.constant 8 : i32
    %scan3A_4 = arith.addi %scan3A, %scan3A_3 : i32
    %scan3A_5 = arith.constant 1 : i32
    scf.for %scan3A_23 = %scan3A to %scan3A_4 step %scan3A_5  : i32 {
      %mul3A_24 = arith.constant 1 : i32
      %mul3A_25 = arith.muli %scan3A_23, %mul3A_24 : i32
      %add3A_26 = arith.constant 0 : i32
      %add3A_27 = arith.addi %add3A_26, %mul3A_25 : i32
      %mul3A_28 = arith.constant 16 : i32
      %mul3A_29 = arith.muli %add3A_27, %mul3A_28 : i32
      %get3A = arith.index_cast %mul3A_29 : i32 to index
      %get3A_30 = tpu.vector_load %arg8[%get3A] {strides = array<i32>} : memref<128xi32, #tpu.memory_space<vmem>>, vector<16xi32>,
      %get3A_31 = vector.shape_cast %get3A_30 : vector<16xi32> to vector<16xi32>
      %slice3A = vector.extract_strided_slice %get3A_31 {offsets = [0], sizes = [1], strides = [1]} : vector<16xi32> to vector<1xi32>
      %squeeze3A = vector.extract %slice3A[0] : i32 from vector<1xi32>
      %add3A_32 = arith.constant 0 : i32
      %add3A_33 = arith.addi %mul3A_29, %add3A_32 : i32
      %dma_start3A = arith.constant 0 : i32
      %dma_start3A_34 = tpu.memref_slice %arg10[%add3A_33, %dma_start3A] : memref<128x64xf32, #tpu.memory_space<vmem>> -> memref<1x64xf32, #tpu.memory_space<vmem>>
      %dma_start3A_35 = arith.constant 0 : i32
      %dma_start3A_36 = tpu.memref_slice %arg2[%squeeze3A, %dma_start3A_35] : memref<1000000x64xf32, #tpu.memory_space<hbm>> -> memref<1x64xf32, #tpu.memory_space<hbm>>
      %dma_start3A_37 = arith.constant 0 : i32
      %dma_start3A_38 = tpu.memref_slice %arg10[%add3A_33, %dma_start3A_37] : memref<128x64xf32, #tpu.memory_space<vmem>> -> memref<1x64xf32, #tpu.memory_space<vmem>>
      %dma_start3A_39 = arith.constant 0 : i32
      %dma_start3A_40 = tpu.memref_slice %arg2[%squeeze3A, %dma_start3A_39] : memref<1000000x64xf32, #tpu.memory_space<hbm>> -> memref<1x64xf32, #tpu.memory_space<hbm>>
      tpu.enqueue_dma source(%dma_start3A_40 : memref<1x64xf32, #tpu.memory_space<hbm>>) target(%dma_start3A_38 : memref<1x64xf32, #tpu.memory_space<vmem>>) target_semaphore(%arg12 : memref<!tpu.dma_semaphore, #tpu.memory_space<semaphore_mem>>)
      %slice3A_41 = vector.extract_strided_slice %get3A_31 {offsets = [1], sizes = [1], strides = [1]} : vector<16xi32> to vector<1xi32>
      %squeeze3A_42 = vector.extract %slice3A_41[0] : i32 from vector<1xi32>
      %add3A_43 = arith.constant 1 : i32
      %add3A_44 = arith.addi %mul3A_29, %add3A_43 : i32
      %dma_start3A_45 = arith.constant 0 : i32
      %dma_start3A_46 = tpu.memref_slice %arg10[%add3A_44, %dma_start3A_45] : memref<128x64xf32, #tpu.memory_space<vmem>> -> memref<1x64xf32, #tpu.memory_space<vmem>>
      %dma_start3A_47 = arith.constant 0 : i32
      %dma_start3A_48 = tpu.memref_slice %arg2[%squeeze3A_42, %dma_start3A_47] : memref<1000000x64xf32, #tpu.memory_space<hbm>> -> memref<1x64xf32, #tpu.memory_space<hbm>>
      %dma_start3A_49 = arith.constant 0 : i32
      %dma_start3A_50 = tpu.memref_slice %arg10[%add3A_44, %dma_start3A_49] : memref<128x64xf32, #tpu.memory_space<vmem>> -> memref<1x64xf32, #tpu.memory_space<vmem>>
      %dma_start3A_51 = arith.constant 0 : i32
      %dma_start3A_52 = tpu.memref_slice %arg2[%squeeze3A_42, %dma_start3A_51] : memref<1000000x64xf32, #tpu.memory_space<hbm>> -> memref<1x64xf32, #tpu.memory_space<hbm>>
      tpu.enqueue_dma source(%dma_start3A_52 : memref<1x64xf32, #tpu.memory_space<hbm>>) target(%dma_start3A_50 : memref<1x64xf32, #tpu.memory_space<vmem>>) target_semaphore(%arg12 : memref<!tpu.dma_semaphore, #tpu.memory_space<semaphore_mem>>)
      %slice3A_53 = vector.extract_strided_slice %get3A_31 {offsets = [2], sizes = [1], strides = [1]} : vector<16xi32> to vector<1xi32>
      %squeeze3A_54 = vector.extract %slice3A_53[0] : i32 from vector<1xi32>
      %add3A_55 = arith.constant 2 : i32
      %add3A_56 = arith.addi %mul3A_29, %add3A_55 : i32
      %dma_start3A_57 = arith.constant 0 : i32
      %dma_start3A_58 = tpu.memref_slice %arg10[%add3A_56, %dma_start3A_57] : memref<128x64xf32, #tpu.memory_space<vmem>> -> memref<1x64xf32, #tpu.memory_space<vmem>>
      %dma_start3A_59 = arith.constant 0 : i32
      %dma_start3A_60 = tpu.memref_slice %arg2[%squeeze3A_54, %dma_start3A_59] : memref<1000000x64xf32, #tpu.memory_space<hbm>> -> memref<1x64xf32, #tpu.memory_space<hbm>>
      %dma_start3A_61 = arith.constant 0 : i32
      %dma_start3A_62 = tpu.memref_slice %arg10[%add3A_56, %dma_start3A_61] : memref<128x64xf32, #tpu.memory_space<vmem>> -> memref<1x64xf32, #tpu.memory_space<vmem>>
      %dma_start3A_63 = arith.constant 0 : i32
      %dma_start3A_64 = tpu.memref_slice %arg2[%squeeze3A_54, %dma_start3A_63] : memref<1000000x64xf32, #tpu.memory_space<hbm>> -> memref<1x64xf32, #tpu.memory_space<hbm>>
      tpu.enqueue_dma source(%dma_start3A_64 : memref<1x64xf32, #tpu.memory_space<hbm>>) target(%dma_start3A_62 : memref<1x64xf32, #tpu.memory_space<vmem>>) target_semaphore(%arg12 : memref<!tpu.dma_semaphore, #tpu.memory_space<semaphore_mem>>)
      %slice3A_65 = vector.extract_strided_slice %get3A_31 {offsets = [3], sizes = [1], strides = [1]} : vector<16xi32> to vector<1xi32>
      %squeeze3A_66 = vector.extract %slice3A_65[0] : i32 from vector<1xi32>
      %add3A_67 = arith.constant 3 : i32
      %add3A_68 = arith.addi %mul3A_29, %add3A_67 : i32
      %dma_start3A_69 = arith.constant 0 : i32
      %dma_start3A_70 = tpu.memref_slice %arg10[%add3A_68, %dma_start3A_69] : memref<128x64xf32, #tpu.memory_space<vmem>> -> memref<1x64xf32, #tpu.memory_space<vmem>>
      %dma_start3A_71 = arith.constant 0 : i32
      %dma_start3A_72 = tpu.memref_slice %arg2[%squeeze3A_66, %dma_start3A_71] : memref<1000000x64xf32, #tpu.memory_space<hbm>> -> memref<1x64xf32, #tpu.memory_space<hbm>>
      %dma_start3A_73 = arith.constant 0 : i32
      %dma_start3A_74 = tpu.memref_slice %arg10[%add3A_68, %dma_start3A_73] : memref<128x64xf32, #tpu.memory_space<vmem>> -> memref<1x64xf32, #tpu.memory_space<vmem>>
      %dma_start3A_75 = arith.constant 0 : i32
      %dma_start3A_76 = tpu.memref_slice %arg2[%squeeze3A_66, %dma_start3A_75] : memref<1000000x64xf32, #tpu.memory_space<hbm>> -> memref<1x64xf32, #tpu.memory_space<hbm>>
      tpu.enqueue_dma source(%dma_start3A_76 : memref<1x64xf32, #tpu.memory_space<hbm>>) target(%dma_start3A_74 : memref<1x64xf32, #tpu.memory_space<vmem>>) target_semaphore(%arg12 : memref<!tpu.dma_semaphore, #tpu.memory_space<semaphore_mem>>)
      %slice3A_77 = vector.extract_strided_slice %get3A_31 {offsets = [4], sizes = [1], strides = [1]} : vector<16xi32> to vector<1xi32>
      %squeeze3A_78 = vector.extract %slice3A_77[0] : i32 from vector<1xi32>
      %add3A_79 = arith.constant 4 : i32
      %add3A_80 = arith.addi %mul3A_29, %add3A_79 : i32
      %dma_start3A_81 = arith.constant 0 : i32
      %dma_start3A_82 = tpu.memref_slice %arg10[%add3A_80, %dma_start3A_81] : memref<128x64xf32, #tpu.memory_space<vmem>> -> memref<1x64xf32, #tpu.memory_space<vmem>>
      %dma_start3A_83 = arith.constant 0 : i32
      %dma_start3A_84 = tpu.memref_slice %arg2[%squeeze3A_78, %dma_start3A_83] : memref<1000000x64xf32, #tpu.memory_space<hbm>> -> memref<1x64xf32, #tpu.memory_space<hbm>>
      %dma_start3A_85 = arith.constant 0 : i32
      %dma_start3A_86 = tpu.memref_slice %arg10[%add3A_80, %dma_start3A_85] : memref<128x64xf32, #tpu.memory_space<vmem>> -> memref<1x64xf32, #tpu.memory_space<vmem>>
      %dma_start3A_87 = arith.constant 0 : i32
      %dma_start3A_88 = tpu.memref_slice %arg2[%squeeze3A_78, %dma_start3A_87] : memref<1000000x64xf32, #tpu.memory_space<hbm>> -> memref<1x64xf32, #tpu.memory_space<hbm>>
      tpu.enqueue_dma source(%dma_start3A_88 : memref<1x64xf32, #tpu.memory_space<hbm>>) target(%dma_start3A_86 : memref<1x64xf32, #tpu.memory_space<vmem>>) target_semaphore(%arg12 : memref<!tpu.dma_semaphore, #tpu.memory_space<semaphore_mem>>)
      %slice3A_89 = vector.extract_strided_slice %get3A_31 {offsets = [5], sizes = [1], strides = [1]} : vector<16xi32> to vector<1xi32>
      %squeeze3A_90 = vector.extract %slice3A_89[0] : i32 from vector<1xi32>
      %add3A_91 = arith.constant 5 : i32
      %add3A_92 = arith.addi %mul3A_29, %add3A_91 : i32
      %dma_start3A_93 = arith.constant 0 : i32
      %dma_start3A_94 = tpu.memref_slice %arg10[%add3A_92, %dma_start3A_93] : memref<128x64xf32, #tpu.memory_space<vmem>> -> memref<1x64xf32, #tpu.memory_space<vmem>>
      %dma_start3A_95 = arith.constant 0 : i32
      %dma_start3A_96 = tpu.memref_slice %arg2[%squeeze3A_90, %dma_start3A_95] : memref<1000000x64xf32, #tpu.memory_space<hbm>> -> memref<1x64xf32, #tpu.memory_space<hbm>>
      %dma_start3A_97 = arith.constant 0 : i32
      %dma_start3A_98 = tpu.memref_slice %arg10[%add3A_92, %dma_start3A_97] : memref<128x64xf32, #tpu.memory_space<vmem>> -> memref<1x64xf32, #tpu.memory_space<vmem>>
      %dma_start3A_99 = arith.constant 0 : i32
      %dma_start3A_100 = tpu.memref_slice %arg2[%squeeze3A_90, %dma_start3A_99] : memref<1000000x64xf32, #tpu.memory_space<hbm>> -> memref<1x64xf32, #tpu.memory_space<hbm>>
      tpu.enqueue_dma source(%dma_start3A_100 : memref<1x64xf32, #tpu.memory_space<hbm>>) target(%dma_start3A_98 : memref<1x64xf32, #tpu.memory_space<vmem>>) target_semaphore(%arg12 : memref<!tpu.dma_semaphore, #tpu.memory_space<semaphore_mem>>)
      %slice3A_101 = vector.extract_strided_slice %get3A_31 {offsets = [6], sizes = [1], strides = [1]} : vector<16xi32> to vector<1xi32>
      %squeeze3A_102 = vector.extract %slice3A_101[0] : i32 from vector<1xi32>
      %add3A_103 = arith.constant 6 : i32
      %add3A_104 = arith.addi %mul3A_29, %add3A_103 : i32
      %dma_start3A_105 = arith.constant 0 : i32
      %dma_start3A_106 = tpu.memref_slice %arg10[%add3A_104, %dma_start3A_105] : memref<128x64xf32, #tpu.memory_space<vmem>> -> memref<1x64xf32, #tpu.memory_space<vmem>>
      %dma_start3A_107 = arith.constant 0 : i32
      %dma_start3A_108 = tpu.memref_slice %arg2[%squeeze3A_102, %dma_start3A_107] : memref<1000000x64xf32, #tpu.memory_space<hbm>> -> memref<1x64xf32, #tpu.memory_space<hbm>>
      %dma_start3A_109 = arith.constant 0 : i32
      %dma_start3A_110 = tpu.memref_slice %arg10[%add3A_104, %dma_start3A_109] : memref<128x64xf32, #tpu.memory_space<vmem>> -> memref<1x64xf32, #tpu.memory_space<vmem>>
      %dma_start3A_111 = arith.constant 0 : i32
      %dma_start3A_112 = tpu.memref_slice %arg2[%squeeze3A_102, %dma_start3A_111] : memref<1000000x64xf32, #tpu.memory_space<hbm>> -> memref<1x64xf32, #tpu.memory_space<hbm>>
      tpu.enqueue_dma source(%dma_start3A_112 : memref<1x64xf32, #tpu.memory_space<hbm>>) target(%dma_start3A_110 : memref<1x64xf32, #tpu.memory_space<vmem>>) target_semaphore(%arg12 : memref<!tpu.dma_semaphore, #tpu.memory_space<semaphore_mem>>)
      %slice3A_113 = vector.extract_strided_slice %get3A_31 {offsets = [7], sizes = [1], strides = [1]} : vector<16xi32> to vector<1xi32>
      %squeeze3A_114 = vector.extract %slice3A_113[0] : i32 from vector<1xi32>
      %add3A_115 = arith.constant 7 : i32
      %add3A_116 = arith.addi %mul3A_29, %add3A_115 : i32
      %dma_start3A_117 = arith.constant 0 : i32
      %dma_start3A_118 = tpu.memref_slice %arg10[%add3A_116, %dma_start3A_117] : memref<128x64xf32, #tpu.memory_space<vmem>> -> memref<1x64xf32, #tpu.memory_space<vmem>>
      %dma_start3A_119 = arith.constant 0 : i32
      %dma_start3A_120 = tpu.memref_slice %arg2[%squeeze3A_114, %dma_start3A_119] : memref<1000000x64xf32, #tpu.memory_space<hbm>> -> memref<1x64xf32, #tpu.memory_space<hbm>>
      %dma_start3A_121 = arith.constant 0 : i32
      %dma_start3A_122 = tpu.memref_slice %arg10[%add3A_116, %dma_start3A_121] : memref<128x64xf32, #tpu.memory_space<vmem>> -> memref<1x64xf32, #tpu.memory_space<vmem>>
      %dma_start3A_123 = arith.constant 0 : i32
      %dma_start3A_124 = tpu.memref_slice %arg2[%squeeze3A_114, %dma_start3A_123] : memref<1000000x64xf32, #tpu.memory_space<hbm>> -> memref<1x64xf32, #tpu.memory_space<hbm>>
      tpu.enqueue_dma source(%dma_start3A_124 : memref<1x64xf32, #tpu.memory_space<hbm>>) target(%dma_start3A_122 : memref<1x64xf32, #tpu.memory_space<vmem>>) target_semaphore(%arg12 : memref<!tpu.dma_semaphore, #tpu.memory_space<semaphore_mem>>)
      %slice3A_125 = vector.extract_strided_slice %get3A_31 {offsets = [8], sizes = [1], strides = [1]} : vector<16xi32> to vector<1xi32>
      %squeeze3A_126 = vector.extract %slice3A_125[0] : i32 from vector<1xi32>
      %add3A_127 = arith.constant 8 : i32
      %add3A_128 = arith.addi %mul3A_29, %add3A_127 : i32
      %dma_start3A_129 = arith.constant 0 : i32
      %dma_start3A_130 = tpu.memref_slice %arg10[%add3A_128, %dma_start3A_129] : memref<128x64xf32, #tpu.memory_space<vmem>> -> memref<1x64xf32, #tpu.memory_space<vmem>>
      %dma_start3A_131 = arith.constant 0 : i32
      %dma_start3A_132 = tpu.memref_slice %arg2[%squeeze3A_126, %dma_start3A_131] : memref<1000000x64xf32, #tpu.memory_space<hbm>> -> memref<1x64xf32, #tpu.memory_space<hbm>>
      %dma_start3A_133 = arith.constant 0 : i32
      %dma_start3A_134 = tpu.memref_slice %arg10[%add3A_128, %dma_start3A_133] : memref<128x64xf32, #tpu.memory_space<vmem>> -> memref<1x64xf32, #tpu.memory_space<vmem>>
      %dma_start3A_135 = arith.constant 0 : i32
      %dma_start3A_136 = tpu.memref_slice %arg2[%squeeze3A_126, %dma_start3A_135] : memref<1000000x64xf32, #tpu.memory_space<hbm>> -> memref<1x64xf32, #tpu.memory_space<hbm>>
      tpu.enqueue_dma source(%dma_start3A_136 : memref<1x64xf32, #tpu.memory_space<hbm>>) target(%dma_start3A_134 : memref<1x64xf32, #tpu.memory_space<vmem>>) target_semaphore(%arg12 : memref<!tpu.dma_semaphore, #tpu.memory_space<semaphore_mem>>)
      %slice3A_137 = vector.extract_strided_slice %get3A_31 {offsets = [9], sizes = [1], strides = [1]} : vector<16xi32> to vector<1xi32>
      %squeeze3A_138 = vector.extract %slice3A_137[0] : i32 from vector<1xi32>
      %add3A_139 = arith.constant 9 : i32
      %add3A_140 = arith.addi %mul3A_29, %add3A_139 : i32
      %dma_start3A_141 = arith.constant 0 : i32
      %dma_start3A_142 = tpu.memref_slice %arg10[%add3A_140, %dma_start3A_141] : memref<128x64xf32, #tpu.memory_space<vmem>> -> memref<1x64xf32, #tpu.memory_space<vmem>>
      %dma_start3A_143 = arith.constant 0 : i32
      %dma_start3A_144 = tpu.memref_slice %arg2[%squeeze3A_138, %dma_start3A_143] : memref<1000000x64xf32, #tpu.memory_space<hbm>> -> memref<1x64xf32, #tpu.memory_space<hbm>>
      %dma_start3A_145 = arith.constant 0 : i32
      %dma_start3A_146 = tpu.memref_slice %arg10[%add3A_140, %dma_start3A_145] : memref<128x64xf32, #tpu.memory_space<vmem>> -> memref<1x64xf32, #tpu.memory_space<vmem>>
      %dma_start3A_147 = arith.constant 0 : i32
      %dma_start3A_148 = tpu.memref_slice %arg2[%squeeze3A_138, %dma_start3A_147] : memref<1000000x64xf32, #tpu.memory_space<hbm>> -> memref<1x64xf32, #tpu.memory_space<hbm>>
      tpu.enqueue_dma source(%dma_start3A_148 : memref<1x64xf32, #tpu.memory_space<hbm>>) target(%dma_start3A_146 : memref<1x64xf32, #tpu.memory_space<vmem>>) target_semaphore(%arg12 : memref<!tpu.dma_semaphore, #tpu.memory_space<semaphore_mem>>)
      %slice3A_149 = vector.extract_strided_slice %get3A_31 {offsets = [10], sizes = [1], strides = [1]} : vector<16xi32> to vector<1xi32>
      %squeeze3A_150 = vector.extract %slice3A_149[0] : i32 from vector<1xi32>
      %add3A_151 = arith.constant 10 : i32
      %add3A_152 = arith.addi %mul3A_29, %add3A_151 : i32
      %dma_start3A_153 = arith.constant 0 : i32
      %dma_start3A_154 = tpu.memref_slice %arg10[%add3A_152, %dma_start3A_153] : memref<128x64xf32, #tpu.memory_space<vmem>> -> memref<1x64xf32, #tpu.memory_space<vmem>>
      %dma_start3A_155 = arith.constant 0 : i32
      %dma_start3A_156 = tpu.memref_slice %arg2[%squeeze3A_150, %dma_start3A_155] : memref<1000000x64xf32, #tpu.memory_space<hbm>> -> memref<1x64xf32, #tpu.memory_space<hbm>>
      %dma_start3A_157 = arith.constant 0 : i32
      %dma_start3A_158 = tpu.memref_slice %arg10[%add3A_152, %dma_start3A_157] : memref<128x64xf32, #tpu.memory_space<vmem>> -> memref<1x64xf32, #tpu.memory_space<vmem>>
      %dma_start3A_159 = arith.constant 0 : i32
      %dma_start3A_160 = tpu.memref_slice %arg2[%squeeze3A_150, %dma_start3A_159] : memref<1000000x64xf32, #tpu.memory_space<hbm>> -> memref<1x64xf32, #tpu.memory_space<hbm>>
      tpu.enqueue_dma source(%dma_start3A_160 : memref<1x64xf32, #tpu.memory_space<hbm>>) target(%dma_start3A_158 : memref<1x64xf32, #tpu.memory_space<vmem>>) target_semaphore(%arg12 : memref<!tpu.dma_semaphore, #tpu.memory_space<semaphore_mem>>)
      %slice3A_161 = vector.extract_strided_slice %get3A_31 {offsets = [11], sizes = [1], strides = [1]} : vector<16xi32> to vector<1xi32>
      %squeeze3A_162 = vector.extract %slice3A_161[0] : i32 from vector<1xi32>
      %add3A_163 = arith.constant 11 : i32
      %add3A_164 = arith.addi %mul3A_29, %add3A_163 : i32
      %dma_start3A_165 = arith.constant 0 : i32
      %dma_start3A_166 = tpu.memref_slice %arg10[%add3A_164, %dma_start3A_165] : memref<128x64xf32, #tpu.memory_space<vmem>> -> memref<1x64xf32, #tpu.memory_space<vmem>>
      %dma_start3A_167 = arith.constant 0 : i32
      %dma_start3A_168 = tpu.memref_slice %arg2[%squeeze3A_162, %dma_start3A_167] : memref<1000000x64xf32, #tpu.memory_space<hbm>> -> memref<1x64xf32, #tpu.memory_space<hbm>>
      %dma_start3A_169 = arith.constant 0 : i32
      %dma_start3A_170 = tpu.memref_slice %arg10[%add3A_164, %dma_start3A_169] : memref<128x64xf32, #tpu.memory_space<vmem>> -> memref<1x64xf32, #tpu.memory_space<vmem>>
      %dma_start3A_171 = arith.constant 0 : i32
      %dma_start3A_172 = tpu.memref_slice %arg2[%squeeze3A_162, %dma_start3A_171] : memref<1000000x64xf32, #tpu.memory_space<hbm>> -> memref<1x64xf32, #tpu.memory_space<hbm>>
      tpu.enqueue_dma source(%dma_start3A_172 : memref<1x64xf32, #tpu.memory_space<hbm>>) target(%dma_start3A_170 : memref<1x64xf32, #tpu.memory_space<vmem>>) target_semaphore(%arg12 : memref<!tpu.dma_semaphore, #tpu.memory_space<semaphore_mem>>)
      %slice3A_173 = vector.extract_strided_slice %get3A_31 {offsets = [12], sizes = [1], strides = [1]} : vector<16xi32> to vector<1xi32>
      %squeeze3A_174 = vector.extract %slice3A_173[0] : i32 from vector<1xi32>
      %add3A_175 = arith.constant 12 : i32
      %add3A_176 = arith.addi %mul3A_29, %add3A_175 : i32
      %dma_start3A_177 = arith.constant 0 : i32
      %dma_start3A_178 = tpu.memref_slice %arg10[%add3A_176, %dma_start3A_177] : memref<128x64xf32, #tpu.memory_space<vmem>> -> memref<1x64xf32, #tpu.memory_space<vmem>>
      %dma_start3A_179 = arith.constant 0 : i32
      %dma_start3A_180 = tpu.memref_slice %arg2[%squeeze3A_174, %dma_start3A_179] : memref<1000000x64xf32, #tpu.memory_space<hbm>> -> memref<1x64xf32, #tpu.memory_space<hbm>>
      %dma_start3A_181 = arith.constant 0 : i32
      %dma_start3A_182 = tpu.memref_slice %arg10[%add3A_176, %dma_start3A_181] : memref<128x64xf32, #tpu.memory_space<vmem>> -> memref<1x64xf32, #tpu.memory_space<vmem>>
      %dma_start3A_183 = arith.constant 0 : i32
      %dma_start3A_184 = tpu.memref_slice %arg2[%squeeze3A_174, %dma_start3A_183] : memref<1000000x64xf32, #tpu.memory_space<hbm>> -> memref<1x64xf32, #tpu.memory_space<hbm>>
      tpu.enqueue_dma source(%dma_start3A_184 : memref<1x64xf32, #tpu.memory_space<hbm>>) target(%dma_start3A_182 : memref<1x64xf32, #tpu.memory_space<vmem>>) target_semaphore(%arg12 : memref<!tpu.dma_semaphore, #tpu.memory_space<semaphore_mem>>)
      %slice3A_185 = vector.extract_strided_slice %get3A_31 {offsets = [13], sizes = [1], strides = [1]} : vector<16xi32> to vector<1xi32>
      %squeeze3A_186 = vector.extract %slice3A_185[0] : i32 from vector<1xi32>
      %add3A_187 = arith.constant 13 : i32
      %add3A_188 = arith.addi %mul3A_29, %add3A_187 : i32
      %dma_start3A_189 = arith.constant 0 : i32
      %dma_start3A_190 = tpu.memref_slice %arg10[%add3A_188, %dma_start3A_189] : memref<128x64xf32, #tpu.memory_space<vmem>> -> memref<1x64xf32, #tpu.memory_space<vmem>>
      %dma_start3A_191 = arith.constant 0 : i32
      %dma_start3A_192 = tpu.memref_slice %arg2[%squeeze3A_186, %dma_start3A_191] : memref<1000000x64xf32, #tpu.memory_space<hbm>> -> memref<1x64xf32, #tpu.memory_space<hbm>>
      %dma_start3A_193 = arith.constant 0 : i32
      %dma_start3A_194 = tpu.memref_slice %arg10[%add3A_188, %dma_start3A_193] : memref<128x64xf32, #tpu.memory_space<vmem>> -> memref<1x64xf32, #tpu.memory_space<vmem>>
      %dma_start3A_195 = arith.constant 0 : i32
      %dma_start3A_196 = tpu.memref_slice %arg2[%squeeze3A_186, %dma_start3A_195] : memref<1000000x64xf32, #tpu.memory_space<hbm>> -> memref<1x64xf32, #tpu.memory_space<hbm>>
      tpu.enqueue_dma source(%dma_start3A_196 : memref<1x64xf32, #tpu.memory_space<hbm>>) target(%dma_start3A_194 : memref<1x64xf32, #tpu.memory_space<vmem>>) target_semaphore(%arg12 : memref<!tpu.dma_semaphore, #tpu.memory_space<semaphore_mem>>)
      %slice3A_197 = vector.extract_strided_slice %get3A_31 {offsets = [14], sizes = [1], strides = [1]} : vector<16xi32> to vector<1xi32>
      %squeeze3A_198 = vector.extract %slice3A_197[0] : i32 from vector<1xi32>
      %add3A_199 = arith.constant 14 : i32
      %add3A_200 = arith.addi %mul3A_29, %add3A_199 : i32
      %dma_start3A_201 = arith.constant 0 : i32
      %dma_start3A_202 = tpu.memref_slice %arg10[%add3A_200, %dma_start3A_201] : memref<128x64xf32, #tpu.memory_space<vmem>> -> memref<1x64xf32, #tpu.memory_space<vmem>>
      %dma_start3A_203 = arith.constant 0 : i32
      %dma_start3A_204 = tpu.memref_slice %arg2[%squeeze3A_198, %dma_start3A_203] : memref<1000000x64xf32, #tpu.memory_space<hbm>> -> memref<1x64xf32, #tpu.memory_space<hbm>>
      %dma_start3A_205 = arith.constant 0 : i32
      %dma_start3A_206 = tpu.memref_slice %arg10[%add3A_200, %dma_start3A_205] : memref<128x64xf32, #tpu.memory_space<vmem>> -> memref<1x64xf32, #tpu.memory_space<vmem>>
      %dma_start3A_207 = arith.constant 0 : i32
      %dma_start3A_208 = tpu.memref_slice %arg2[%squeeze3A_198, %dma_start3A_207] : memref<1000000x64xf32, #tpu.memory_space<hbm>> -> memref<1x64xf32, #tpu.memory_space<hbm>>
      tpu.enqueue_dma source(%dma_start3A_208 : memref<1x64xf32, #tpu.memory_space<hbm>>) target(%dma_start3A_206 : memref<1x64xf32, #tpu.memory_space<vmem>>) target_semaphore(%arg12 : memref<!tpu.dma_semaphore, #tpu.memory_space<semaphore_mem>>)
      %slice3A_209 = vector.extract_strided_slice %get3A_31 {offsets = [15], sizes = [1], strides = [1]} : vector<16xi32> to vector<1xi32>
      %squeeze3A_210 = vector.extract %slice3A_209[0] : i32 from vector<1xi32>
      %add3A_211 = arith.constant 15 : i32
      %add3A_212 = arith.addi %mul3A_29, %add3A_211 : i32
      %dma_start3A_213 = arith.constant 0 : i32
      %dma_start3A_214 = tpu.memref_slice %arg10[%add3A_212, %dma_start3A_213] : memref<128x64xf32, #tpu.memory_space<vmem>> -> memref<1x64xf32, #tpu.memory_space<vmem>>
      %dma_start3A_215 = arith.constant 0 : i32
      %dma_start3A_216 = tpu.memref_slice %arg2[%squeeze3A_210, %dma_start3A_215] : memref<1000000x64xf32, #tpu.memory_space<hbm>> -> memref<1x64xf32, #tpu.memory_space<hbm>>
      %dma_start3A_217 = arith.constant 0 : i32
      %dma_start3A_218 = tpu.memref_slice %arg10[%add3A_212, %dma_start3A_217] : memref<128x64xf32, #tpu.memory_space<vmem>> -> memref<1x64xf32, #tpu.memory_space<vmem>>
      %dma_start3A_219 = arith.constant 0 : i32
      %dma_start3A_220 = tpu.memref_slice %arg2[%squeeze3A_210, %dma_start3A_219] : memref<1000000x64xf32, #tpu.memory_space<hbm>> -> memref<1x64xf32, #tpu.memory_space<hbm>>
      tpu.enqueue_dma source(%dma_start3A_220 : memref<1x64xf32, #tpu.memory_space<hbm>>) target(%dma_start3A_218 : memref<1x64xf32, #tpu.memory_space<vmem>>) target_semaphore(%arg12 : memref<!tpu.dma_semaphore, #tpu.memory_space<semaphore_mem>>)
    }
    %scan3A_6 = arith.constant 8 : i32
    %scan3A_7 = arith.constant 0 : i32
    %scan3A_8 = arith.constant 8 : i32
    %scan3A_9 = arith.addi %scan3A_7, %scan3A_8 : i32
    %scan3A_10 = arith.constant 1 : i32
    scf.for %scan3A_23 = %scan3A_7 to %scan3A_9 step %scan3A_10  : i32 {
      %mul3A_24 = arith.constant 1 : i32
      %mul3A_25 = arith.muli %scan3A_23, %mul3A_24 : i32
      %add3A_26 = arith.constant 0 : i32
      %add3A_27 = arith.addi %add3A_26, %mul3A_25 : i32
      %mul3A_28 = arith.constant 16 : i32
      %mul3A_29 = arith.muli %add3A_27, %mul3A_28 : i32
      %get3A = arith.index_cast %mul3A_29 : i32 to index
      %get3A_30 = tpu.vector_load %arg9[%get3A] {strides = array<i32>} : memref<128xi32, #tpu.memory_space<vmem>>, vector<16xi32>,
      %get3A_31 = vector.shape_cast %get3A_30 : vector<16xi32> to vector<16xi32>
      %slice3A = vector.extract_strided_slice %get3A_31 {offsets = [0], sizes = [1], strides = [1]} : vector<16xi32> to vector<1xi32>
      %squeeze3A = vector.extract %slice3A[0] : i32 from vector<1xi32>
      %add3A_32 = arith.constant 0 : i32
      %add3A_33 = arith.addi %mul3A_29, %add3A_32 : i32
      %dma_start3A = arith.constant 0 : i32
      %dma_start3A_34 = tpu.memref_slice %arg11[%add3A_33, %dma_start3A] : memref<128x64xf32, #tpu.memory_space<vmem>> -> memref<1x64xf32, #tpu.memory_space<vmem>>
      %dma_start3A_35 = arith.constant 0 : i32
      %dma_start3A_36 = tpu.memref_slice %arg3[%squeeze3A, %dma_start3A_35] : memref<1000000x64xf32, #tpu.memory_space<hbm>> -> memref<1x64xf32, #tpu.memory_space<hbm>>
      %dma_start3A_37 = arith.constant 0 : i32
      %dma_start3A_38 = tpu.memref_slice %arg11[%add3A_33, %dma_start3A_37] : memref<128x64xf32, #tpu.memory_space<vmem>> -> memref<1x64xf32, #tpu.memory_space<vmem>>
      %dma_start3A_39 = arith.constant 0 : i32
      %dma_start3A_40 = tpu.memref_slice %arg3[%squeeze3A, %dma_start3A_39] : memref<1000000x64xf32, #tpu.memory_space<hbm>> -> memref<1x64xf32, #tpu.memory_space<hbm>>
      tpu.enqueue_dma source(%dma_start3A_40 : memref<1x64xf32, #tpu.memory_space<hbm>>) target(%dma_start3A_38 : memref<1x64xf32, #tpu.memory_space<vmem>>) target_semaphore(%arg13 : memref<!tpu.dma_semaphore, #tpu.memory_space<semaphore_mem>>)
      %slice3A_41 = vector.extract_strided_slice %get3A_31 {offsets = [1], sizes = [1], strides = [1]} : vector<16xi32> to vector<1xi32>
      %squeeze3A_42 = vector.extract %slice3A_41[0] : i32 from vector<1xi32>
      %add3A_43 = arith.constant 1 : i32
      %add3A_44 = arith.addi %mul3A_29, %add3A_43 : i32
      %dma_start3A_45 = arith.constant 0 : i32
      %dma_start3A_46 = tpu.memref_slice %arg11[%add3A_44, %dma_start3A_45] : memref<128x64xf32, #tpu.memory_space<vmem>> -> memref<1x64xf32, #tpu.memory_space<vmem>>
      %dma_start3A_47 = arith.constant 0 : i32
      %dma_start3A_48 = tpu.memref_slice %arg3[%squeeze3A_42, %dma_start3A_47] : memref<1000000x64xf32, #tpu.memory_space<hbm>> -> memref<1x64xf32, #tpu.memory_space<hbm>>
      %dma_start3A_49 = arith.constant 0 : i32
      %dma_start3A_50 = tpu.memref_slice %arg11[%add3A_44, %dma_start3A_49] : memref<128x64xf32, #tpu.memory_space<vmem>> -> memref<1x64xf32, #tpu.memory_space<vmem>>
      %dma_start3A_51 = arith.constant 0 : i32
      %dma_start3A_52 = tpu.memref_slice %arg3[%squeeze3A_42, %dma_start3A_51] : memref<1000000x64xf32, #tpu.memory_space<hbm>> -> memref<1x64xf32, #tpu.memory_space<hbm>>
      tpu.enqueue_dma source(%dma_start3A_52 : memref<1x64xf32, #tpu.memory_space<hbm>>) target(%dma_start3A_50 : memref<1x64xf32, #tpu.memory_space<vmem>>) target_semaphore(%arg13 : memref<!tpu.dma_semaphore, #tpu.memory_space<semaphore_mem>>)
      %slice3A_53 = vector.extract_strided_slice %get3A_31 {offsets = [2], sizes = [1], strides = [1]} : vector<16xi32> to vector<1xi32>
      %squeeze3A_54 = vector.extract %slice3A_53[0] : i32 from vector<1xi32>
      %add3A_55 = arith.constant 2 : i32
      %add3A_56 = arith.addi %mul3A_29, %add3A_55 : i32
      %dma_start3A_57 = arith.constant 0 : i32
      %dma_start3A_58 = tpu.memref_slice %arg11[%add3A_56, %dma_start3A_57] : memref<128x64xf32, #tpu.memory_space<vmem>> -> memref<1x64xf32, #tpu.memory_space<vmem>>
      %dma_start3A_59 = arith.constant 0 : i32
      %dma_start3A_60 = tpu.memref_slice %arg3[%squeeze3A_54, %dma_start3A_59] : memref<1000000x64xf32, #tpu.memory_space<hbm>> -> memref<1x64xf32, #tpu.memory_space<hbm>>
      %dma_start3A_61 = arith.constant 0 : i32
      %dma_start3A_62 = tpu.memref_slice %arg11[%add3A_56, %dma_start3A_61] : memref<128x64xf32, #tpu.memory_space<vmem>> -> memref<1x64xf32, #tpu.memory_space<vmem>>
      %dma_start3A_63 = arith.constant 0 : i32
      %dma_start3A_64 = tpu.memref_slice %arg3[%squeeze3A_54, %dma_start3A_63] : memref<1000000x64xf32, #tpu.memory_space<hbm>> -> memref<1x64xf32, #tpu.memory_space<hbm>>
      tpu.enqueue_dma source(%dma_start3A_64 : memref<1x64xf32, #tpu.memory_space<hbm>>) target(%dma_start3A_62 : memref<1x64xf32, #tpu.memory_space<vmem>>) target_semaphore(%arg13 : memref<!tpu.dma_semaphore, #tpu.memory_space<semaphore_mem>>)
      %slice3A_65 = vector.extract_strided_slice %get3A_31 {offsets = [3], sizes = [1], strides = [1]} : vector<16xi32> to vector<1xi32>
      %squeeze3A_66 = vector.extract %slice3A_65[0] : i32 from vector<1xi32>
      %add3A_67 = arith.constant 3 : i32
      %add3A_68 = arith.addi %mul3A_29, %add3A_67 : i32
      %dma_start3A_69 = arith.constant 0 : i32
      %dma_start3A_70 = tpu.memref_slice %arg11[%add3A_68, %dma_start3A_69] : memref<128x64xf32, #tpu.memory_space<vmem>> -> memref<1x64xf32, #tpu.memory_space<vmem>>
      %dma_start3A_71 = arith.constant 0 : i32
      %dma_start3A_72 = tpu.memref_slice %arg3[%squeeze3A_66, %dma_start3A_71] : memref<1000000x64xf32, #tpu.memory_space<hbm>> -> memref<1x64xf32, #tpu.memory_space<hbm>>
      %dma_start3A_73 = arith.constant 0 : i32
      %dma_start3A_74 = tpu.memref_slice %arg11[%add3A_68, %dma_start3A_73] : memref<128x64xf32, #tpu.memory_space<vmem>> -> memref<1x64xf32, #tpu.memory_space<vmem>>
      %dma_start3A_75 = arith.constant 0 : i32
      %dma_start3A_76 = tpu.memref_slice %arg3[%squeeze3A_66, %dma_start3A_75] : memref<1000000x64xf32, #tpu.memory_space<hbm>> -> memref<1x64xf32, #tpu.memory_space<hbm>>
      tpu.enqueue_dma source(%dma_start3A_76 : memref<1x64xf32, #tpu.memory_space<hbm>>) target(%dma_start3A_74 : memref<1x64xf32, #tpu.memory_space<vmem>>) target_semaphore(%arg13 : memref<!tpu.dma_semaphore, #tpu.memory_space<semaphore_mem>>)
      %slice3A_77 = vector.extract_strided_slice %get3A_31 {offsets = [4], sizes = [1], strides = [1]} : vector<16xi32> to vector<1xi32>
      %squeeze3A_78 = vector.extract %slice3A_77[0] : i32 from vector<1xi32>
      %add3A_79 = arith.constant 4 : i32
      %add3A_80 = arith.addi %mul3A_29, %add3A_79 : i32
      %dma_start3A_81 = arith.constant 0 : i32
      %dma_start3A_82 = tpu.memref_slice %arg11[%add3A_80, %dma_start3A_81] : memref<128x64xf32, #tpu.memory_space<vmem>> -> memref<1x64xf32, #tpu.memory_space<vmem>>
      %dma_start3A_83 = arith.constant 0 : i32
      %dma_start3A_84 = tpu.memref_slice %arg3[%squeeze3A_78, %dma_start3A_83] : memref<1000000x64xf32, #tpu.memory_space<hbm>> -> memref<1x64xf32, #tpu.memory_space<hbm>>
      %dma_start3A_85 = arith.constant 0 : i32
      %dma_start3A_86 = tpu.memref_slice %arg11[%add3A_80, %dma_start3A_85] : memref<128x64xf32, #tpu.memory_space<vmem>> -> memref<1x64xf32, #tpu.memory_space<vmem>>
      %dma_start3A_87 = arith.constant 0 : i32
      %dma_start3A_88 = tpu.memref_slice %arg3[%squeeze3A_78, %dma_start3A_87] : memref<1000000x64xf32, #tpu.memory_space<hbm>> -> memref<1x64xf32, #tpu.memory_space<hbm>>
      tpu.enqueue_dma source(%dma_start3A_88 : memref<1x64xf32, #tpu.memory_space<hbm>>) target(%dma_start3A_86 : memref<1x64xf32, #tpu.memory_space<vmem>>) target_semaphore(%arg13 : memref<!tpu.dma_semaphore, #tpu.memory_space<semaphore_mem>>)
      %slice3A_89 = vector.extract_strided_slice %get3A_31 {offsets = [5], sizes = [1], strides = [1]} : vector<16xi32> to vector<1xi32>
      %squeeze3A_90 = vector.extract %slice3A_89[0] : i32 from vector<1xi32>
      %add3A_91 = arith.constant 5 : i32
      %add3A_92 = arith.addi %mul3A_29, %add3A_91 : i32
      %dma_start3A_93 = arith.constant 0 : i32
      %dma_start3A_94 = tpu.memref_slice %arg11[%add3A_92, %dma_start3A_93] : memref<128x64xf32, #tpu.memory_space<vmem>> -> memref<1x64xf32, #tpu.memory_space<vmem>>
      %dma_start3A_95 = arith.constant 0 : i32
      %dma_start3A_96 = tpu.memref_slice %arg3[%squeeze3A_90, %dma_start3A_95] : memref<1000000x64xf32, #tpu.memory_space<hbm>> -> memref<1x64xf32, #tpu.memory_space<hbm>>
      %dma_start3A_97 = arith.constant 0 : i32
      %dma_start3A_98 = tpu.memref_slice %arg11[%add3A_92, %dma_start3A_97] : memref<128x64xf32, #tpu.memory_space<vmem>> -> memref<1x64xf32, #tpu.memory_space<vmem>>
      %dma_start3A_99 = arith.constant 0 : i32
      %dma_start3A_100 = tpu.memref_slice %arg3[%squeeze3A_90, %dma_start3A_99] : memref<1000000x64xf32, #tpu.memory_space<hbm>> -> memref<1x64xf32, #tpu.memory_space<hbm>>
      tpu.enqueue_dma source(%dma_start3A_100 : memref<1x64xf32, #tpu.memory_space<hbm>>) target(%dma_start3A_98 : memref<1x64xf32, #tpu.memory_space<vmem>>) target_semaphore(%arg13 : memref<!tpu.dma_semaphore, #tpu.memory_space<semaphore_mem>>)
      %slice3A_101 = vector.extract_strided_slice %get3A_31 {offsets = [6], sizes = [1], strides = [1]} : vector<16xi32> to vector<1xi32>
      %squeeze3A_102 = vector.extract %slice3A_101[0] : i32 from vector<1xi32>
      %add3A_103 = arith.constant 6 : i32
      %add3A_104 = arith.addi %mul3A_29, %add3A_103 : i32
      %dma_start3A_105 = arith.constant 0 : i32
      %dma_start3A_106 = tpu.memref_slice %arg11[%add3A_104, %dma_start3A_105] : memref<128x64xf32, #tpu.memory_space<vmem>> -> memref<1x64xf32, #tpu.memory_space<vmem>>
      %dma_start3A_107 = arith.constant 0 : i32
      %dma_start3A_108 = tpu.memref_slice %arg3[%squeeze3A_102, %dma_start3A_107] : memref<1000000x64xf32, #tpu.memory_space<hbm>> -> memref<1x64xf32, #tpu.memory_space<hbm>>
      %dma_start3A_109 = arith.constant 0 : i32
      %dma_start3A_110 = tpu.memref_slice %arg11[%add3A_104, %dma_start3A_109] : memref<128x64xf32, #tpu.memory_space<vmem>> -> memref<1x64xf32, #tpu.memory_space<vmem>>
      %dma_start3A_111 = arith.constant 0 : i32
      %dma_start3A_112 = tpu.memref_slice %arg3[%squeeze3A_102, %dma_start3A_111] : memref<1000000x64xf32, #tpu.memory_space<hbm>> -> memref<1x64xf32, #tpu.memory_space<hbm>>
      tpu.enqueue_dma source(%dma_start3A_112 : memref<1x64xf32, #tpu.memory_space<hbm>>) target(%dma_start3A_110 : memref<1x64xf32, #tpu.memory_space<vmem>>) target_semaphore(%arg13 : memref<!tpu.dma_semaphore, #tpu.memory_space<semaphore_mem>>)
      %slice3A_113 = vector.extract_strided_slice %get3A_31 {offsets = [7], sizes = [1], strides = [1]} : vector<16xi32> to vector<1xi32>
      %squeeze3A_114 = vector.extract %slice3A_113[0] : i32 from vector<1xi32>
      %add3A_115 = arith.constant 7 : i32
      %add3A_116 = arith.addi %mul3A_29, %add3A_115 : i32
      %dma_start3A_117 = arith.constant 0 : i32
      %dma_start3A_118 = tpu.memref_slice %arg11[%add3A_116, %dma_start3A_117] : memref<128x64xf32, #tpu.memory_space<vmem>> -> memref<1x64xf32, #tpu.memory_space<vmem>>
      %dma_start3A_119 = arith.constant 0 : i32
      %dma_start3A_120 = tpu.memref_slice %arg3[%squeeze3A_114, %dma_start3A_119] : memref<1000000x64xf32, #tpu.memory_space<hbm>> -> memref<1x64xf32, #tpu.memory_space<hbm>>
      %dma_start3A_121 = arith.constant 0 : i32
      %dma_start3A_122 = tpu.memref_slice %arg11[%add3A_116, %dma_start3A_121] : memref<128x64xf32, #tpu.memory_space<vmem>> -> memref<1x64xf32, #tpu.memory_space<vmem>>
      %dma_start3A_123 = arith.constant 0 : i32
      %dma_start3A_124 = tpu.memref_slice %arg3[%squeeze3A_114, %dma_start3A_123] : memref<1000000x64xf32, #tpu.memory_space<hbm>> -> memref<1x64xf32, #tpu.memory_space<hbm>>
      tpu.enqueue_dma source(%dma_start3A_124 : memref<1x64xf32, #tpu.memory_space<hbm>>) target(%dma_start3A_122 : memref<1x64xf32, #tpu.memory_space<vmem>>) target_semaphore(%arg13 : memref<!tpu.dma_semaphore, #tpu.memory_space<semaphore_mem>>)
      %slice3A_125 = vector.extract_strided_slice %get3A_31 {offsets = [8], sizes = [1], strides = [1]} : vector<16xi32> to vector<1xi32>
      %squeeze3A_126 = vector.extract %slice3A_125[0] : i32 from vector<1xi32>
      %add3A_127 = arith.constant 8 : i32
      %add3A_128 = arith.addi %mul3A_29, %add3A_127 : i32
      %dma_start3A_129 = arith.constant 0 : i32
      %dma_start3A_130 = tpu.memref_slice %arg11[%add3A_128, %dma_start3A_129] : memref<128x64xf32, #tpu.memory_space<vmem>> -> memref<1x64xf32, #tpu.memory_space<vmem>>
      %dma_start3A_131 = arith.constant 0 : i32
      %dma_start3A_132 = tpu.memref_slice %arg3[%squeeze3A_126, %dma_start3A_131] : memref<1000000x64xf32, #tpu.memory_space<hbm>> -> memref<1x64xf32, #tpu.memory_space<hbm>>
      %dma_start3A_133 = arith.constant 0 : i32
      %dma_start3A_134 = tpu.memref_slice %arg11[%add3A_128, %dma_start3A_133] : memref<128x64xf32, #tpu.memory_space<vmem>> -> memref<1x64xf32, #tpu.memory_space<vmem>>
      %dma_start3A_135 = arith.constant 0 : i32
      %dma_start3A_136 = tpu.memref_slice %arg3[%squeeze3A_126, %dma_start3A_135] : memref<1000000x64xf32, #tpu.memory_space<hbm>> -> memref<1x64xf32, #tpu.memory_space<hbm>>
      tpu.enqueue_dma source(%dma_start3A_136 : memref<1x64xf32, #tpu.memory_space<hbm>>) target(%dma_start3A_134 : memref<1x64xf32, #tpu.memory_space<vmem>>) target_semaphore(%arg13 : memref<!tpu.dma_semaphore, #tpu.memory_space<semaphore_mem>>)
      %slice3A_137 = vector.extract_strided_slice %get3A_31 {offsets = [9], sizes = [1], strides = [1]} : vector<16xi32> to vector<1xi32>
      %squeeze3A_138 = vector.extract %slice3A_137[0] : i32 from vector<1xi32>
      %add3A_139 = arith.constant 9 : i32
      %add3A_140 = arith.addi %mul3A_29, %add3A_139 : i32
      %dma_start3A_141 = arith.constant 0 : i32
      %dma_start3A_142 = tpu.memref_slice %arg11[%add3A_140, %dma_start3A_141] : memref<128x64xf32, #tpu.memory_space<vmem>> -> memref<1x64xf32, #tpu.memory_space<vmem>>
      %dma_start3A_143 = arith.constant 0 : i32
      %dma_start3A_144 = tpu.memref_slice %arg3[%squeeze3A_138, %dma_start3A_143] : memref<1000000x64xf32, #tpu.memory_space<hbm>> -> memref<1x64xf32, #tpu.memory_space<hbm>>
      %dma_start3A_145 = arith.constant 0 : i32
      %dma_start3A_146 = tpu.memref_slice %arg11[%add3A_140, %dma_start3A_145] : memref<128x64xf32, #tpu.memory_space<vmem>> -> memref<1x64xf32, #tpu.memory_space<vmem>>
      %dma_start3A_147 = arith.constant 0 : i32
      %dma_start3A_148 = tpu.memref_slice %arg3[%squeeze3A_138, %dma_start3A_147] : memref<1000000x64xf32, #tpu.memory_space<hbm>> -> memref<1x64xf32, #tpu.memory_space<hbm>>
      tpu.enqueue_dma source(%dma_start3A_148 : memref<1x64xf32, #tpu.memory_space<hbm>>) target(%dma_start3A_146 : memref<1x64xf32, #tpu.memory_space<vmem>>) target_semaphore(%arg13 : memref<!tpu.dma_semaphore, #tpu.memory_space<semaphore_mem>>)
      %slice3A_149 = vector.extract_strided_slice %get3A_31 {offsets = [10], sizes = [1], strides = [1]} : vector<16xi32> to vector<1xi32>
      %squeeze3A_150 = vector.extract %slice3A_149[0] : i32 from vector<1xi32>
      %add3A_151 = arith.constant 10 : i32
      %add3A_152 = arith.addi %mul3A_29, %add3A_151 : i32
      %dma_start3A_153 = arith.constant 0 : i32
      %dma_start3A_154 = tpu.memref_slice %arg11[%add3A_152, %dma_start3A_153] : memref<128x64xf32, #tpu.memory_space<vmem>> -> memref<1x64xf32, #tpu.memory_space<vmem>>
      %dma_start3A_155 = arith.constant 0 : i32
      %dma_start3A_156 = tpu.memref_slice %arg3[%squeeze3A_150, %dma_start3A_155] : memref<1000000x64xf32, #tpu.memory_space<hbm>> -> memref<1x64xf32, #tpu.memory_space<hbm>>
      %dma_start3A_157 = arith.constant 0 : i32
      %dma_start3A_158 = tpu.memref_slice %arg11[%add3A_152, %dma_start3A_157] : memref<128x64xf32, #tpu.memory_space<vmem>> -> memref<1x64xf32, #tpu.memory_space<vmem>>
      %dma_start3A_159 = arith.constant 0 : i32
      %dma_start3A_160 = tpu.memref_slice %arg3[%squeeze3A_150, %dma_start3A_159] : memref<1000000x64xf32, #tpu.memory_space<hbm>> -> memref<1x64xf32, #tpu.memory_space<hbm>>
      tpu.enqueue_dma source(%dma_start3A_160 : memref<1x64xf32, #tpu.memory_space<hbm>>) target(%dma_start3A_158 : memref<1x64xf32, #tpu.memory_space<vmem>>) target_semaphore(%arg13 : memref<!tpu.dma_semaphore, #tpu.memory_space<semaphore_mem>>)
      %slice3A_161 = vector.extract_strided_slice %get3A_31 {offsets = [11], sizes = [1], strides = [1]} : vector<16xi32> to vector<1xi32>
      %squeeze3A_162 = vector.extract %slice3A_161[0] : i32 from vector<1xi32>
      %add3A_163 = arith.constant 11 : i32
      %add3A_164 = arith.addi %mul3A_29, %add3A_163 : i32
      %dma_start3A_165 = arith.constant 0 : i32
      %dma_start3A_166 = tpu.memref_slice %arg11[%add3A_164, %dma_start3A_165] : memref<128x64xf32, #tpu.memory_space<vmem>> -> memref<1x64xf32, #tpu.memory_space<vmem>>
      %dma_start3A_167 = arith.constant 0 : i32
      %dma_start3A_168 = tpu.memref_slice %arg3[%squeeze3A_162, %dma_start3A_167] : memref<1000000x64xf32, #tpu.memory_space<hbm>> -> memref<1x64xf32, #tpu.memory_space<hbm>>
      %dma_start3A_169 = arith.constant 0 : i32
      %dma_start3A_170 = tpu.memref_slice %arg11[%add3A_164, %dma_start3A_169] : memref<128x64xf32, #tpu.memory_space<vmem>> -> memref<1x64xf32, #tpu.memory_space<vmem>>
      %dma_start3A_171 = arith.constant 0 : i32
      %dma_start3A_172 = tpu.memref_slice %arg3[%squeeze3A_162, %dma_start3A_171] : memref<1000000x64xf32, #tpu.memory_space<hbm>> -> memref<1x64xf32, #tpu.memory_space<hbm>>
      tpu.enqueue_dma source(%dma_start3A_172 : memref<1x64xf32, #tpu.memory_space<hbm>>) target(%dma_start3A_170 : memref<1x64xf32, #tpu.memory_space<vmem>>) target_semaphore(%arg13 : memref<!tpu.dma_semaphore, #tpu.memory_space<semaphore_mem>>)
      %slice3A_173 = vector.extract_strided_slice %get3A_31 {offsets = [12], sizes = [1], strides = [1]} : vector<16xi32> to vector<1xi32>
      %squeeze3A_174 = vector.extract %slice3A_173[0] : i32 from vector<1xi32>
      %add3A_175 = arith.constant 12 : i32
      %add3A_176 = arith.addi %mul3A_29, %add3A_175 : i32
      %dma_start3A_177 = arith.constant 0 : i32
      %dma_start3A_178 = tpu.memref_slice %arg11[%add3A_176, %dma_start3A_177] : memref<128x64xf32, #tpu.memory_space<vmem>> -> memref<1x64xf32, #tpu.memory_space<vmem>>
      %dma_start3A_179 = arith.constant 0 : i32
      %dma_start3A_180 = tpu.memref_slice %arg3[%squeeze3A_174, %dma_start3A_179] : memref<1000000x64xf32, #tpu.memory_space<hbm>> -> memref<1x64xf32, #tpu.memory_space<hbm>>
      %dma_start3A_181 = arith.constant 0 : i32
      %dma_start3A_182 = tpu.memref_slice %arg11[%add3A_176, %dma_start3A_181] : memref<128x64xf32, #tpu.memory_space<vmem>> -> memref<1x64xf32, #tpu.memory_space<vmem>>
      %dma_start3A_183 = arith.constant 0 : i32
      %dma_start3A_184 = tpu.memref_slice %arg3[%squeeze3A_174, %dma_start3A_183] : memref<1000000x64xf32, #tpu.memory_space<hbm>> -> memref<1x64xf32, #tpu.memory_space<hbm>>
      tpu.enqueue_dma source(%dma_start3A_184 : memref<1x64xf32, #tpu.memory_space<hbm>>) target(%dma_start3A_182 : memref<1x64xf32, #tpu.memory_space<vmem>>) target_semaphore(%arg13 : memref<!tpu.dma_semaphore, #tpu.memory_space<semaphore_mem>>)
      %slice3A_185 = vector.extract_strided_slice %get3A_31 {offsets = [13], sizes = [1], strides = [1]} : vector<16xi32> to vector<1xi32>
      %squeeze3A_186 = vector.extract %slice3A_185[0] : i32 from vector<1xi32>
      %add3A_187 = arith.constant 13 : i32
      %add3A_188 = arith.addi %mul3A_29, %add3A_187 : i32
      %dma_start3A_189 = arith.constant 0 : i32
      %dma_start3A_190 = tpu.memref_slice %arg11[%add3A_188, %dma_start3A_189] : memref<128x64xf32, #tpu.memory_space<vmem>> -> memref<1x64xf32, #tpu.memory_space<vmem>>
      %dma_start3A_191 = arith.constant 0 : i32
      %dma_start3A_192 = tpu.memref_slice %arg3[%squeeze3A_186, %dma_start3A_191] : memref<1000000x64xf32, #tpu.memory_space<hbm>> -> memref<1x64xf32, #tpu.memory_space<hbm>>
      %dma_start3A_193 = arith.constant 0 : i32
      %dma_start3A_194 = tpu.memref_slice %arg11[%add3A_188, %dma_start3A_193] : memref<128x64xf32, #tpu.memory_space<vmem>> -> memref<1x64xf32, #tpu.memory_space<vmem>>
      %dma_start3A_195 = arith.constant 0 : i32
      %dma_start3A_196 = tpu.memref_slice %arg3[%squeeze3A_186, %dma_start3A_195] : memref<1000000x64xf32, #tpu.memory_space<hbm>> -> memref<1x64xf32, #tpu.memory_space<hbm>>
      tpu.enqueue_dma source(%dma_start3A_196 : memref<1x64xf32, #tpu.memory_space<hbm>>) target(%dma_start3A_194 : memref<1x64xf32, #tpu.memory_space<vmem>>) target_semaphore(%arg13 : memref<!tpu.dma_semaphore, #tpu.memory_space<semaphore_mem>>)
      %slice3A_197 = vector.extract_strided_slice %get3A_31 {offsets = [14], sizes = [1], strides = [1]} : vector<16xi32> to vector<1xi32>
      %squeeze3A_198 = vector.extract %slice3A_197[0] : i32 from vector<1xi32>
      %add3A_199 = arith.constant 14 : i32
      %add3A_200 = arith.addi %mul3A_29, %add3A_199 : i32
      %dma_start3A_201 = arith.constant 0 : i32
      %dma_start3A_202 = tpu.memref_slice %arg11[%add3A_200, %dma_start3A_201] : memref<128x64xf32, #tpu.memory_space<vmem>> -> memref<1x64xf32, #tpu.memory_space<vmem>>
      %dma_start3A_203 = arith.constant 0 : i32
      %dma_start3A_204 = tpu.memref_slice %arg3[%squeeze3A_198, %dma_start3A_203] : memref<1000000x64xf32, #tpu.memory_space<hbm>> -> memref<1x64xf32, #tpu.memory_space<hbm>>
      %dma_start3A_205 = arith.constant 0 : i32
      %dma_start3A_206 = tpu.memref_slice %arg11[%add3A_200, %dma_start3A_205] : memref<128x64xf32, #tpu.memory_space<vmem>> -> memref<1x64xf32, #tpu.memory_space<vmem>>
      %dma_start3A_207 = arith.constant 0 : i32
      %dma_start3A_208 = tpu.memref_slice %arg3[%squeeze3A_198, %dma_start3A_207] : memref<1000000x64xf32, #tpu.memory_space<hbm>> -> memref<1x64xf32, #tpu.memory_space<hbm>>
      tpu.enqueue_dma source(%dma_start3A_208 : memref<1x64xf32, #tpu.memory_space<hbm>>) target(%dma_start3A_206 : memref<1x64xf32, #tpu.memory_space<vmem>>) target_semaphore(%arg13 : memref<!tpu.dma_semaphore, #tpu.memory_space<semaphore_mem>>)
      %slice3A_209 = vector.extract_strided_slice %get3A_31 {offsets = [15], sizes = [1], strides = [1]} : vector<16xi32> to vector<1xi32>
      %squeeze3A_210 = vector.extract %slice3A_209[0] : i32 from vector<1xi32>
      %add3A_211 = arith.constant 15 : i32
      %add3A_212 = arith.addi %mul3A_29, %add3A_211 : i32
      %dma_start3A_213 = arith.constant 0 : i32
      %dma_start3A_214 = tpu.memref_slice %arg11[%add3A_212, %dma_start3A_213] : memref<128x64xf32, #tpu.memory_space<vmem>> -> memref<1x64xf32, #tpu.memory_space<vmem>>
      %dma_start3A_215 = arith.constant 0 : i32
      %dma_start3A_216 = tpu.memref_slice %arg3[%squeeze3A_210, %dma_start3A_215] : memref<1000000x64xf32, #tpu.memory_space<hbm>> -> memref<1x64xf32, #tpu.memory_space<hbm>>
      %dma_start3A_217 = arith.constant 0 : i32
      %dma_start3A_218 = tpu.memref_slice %arg11[%add3A_212, %dma_start3A_217] : memref<128x64xf32, #tpu.memory_space<vmem>> -> memref<1x64xf32, #tpu.memory_space<vmem>>
      %dma_start3A_219 = arith.constant 0 : i32
      %dma_start3A_220 = tpu.memref_slice %arg3[%squeeze3A_210, %dma_start3A_219] : memref<1000000x64xf32, #tpu.memory_space<hbm>> -> memref<1x64xf32, #tpu.memory_space<hbm>>
      tpu.enqueue_dma source(%dma_start3A_220 : memref<1x64xf32, #tpu.memory_space<hbm>>) target(%dma_start3A_218 : memref<1x64xf32, #tpu.memory_space<vmem>>) target_semaphore(%arg13 : memref<!tpu.dma_semaphore, #tpu.memory_space<semaphore_mem>>)
    }
    %scan3A_11 = arith.constant 8 : i32
    %dma_wait3A = arith.constant 0 : i32
    %dma_wait3A_12 = arith.constant 0 : i32
    %dma_wait3A_13 = tpu.memref_slice %arg2[%dma_wait3A, %dma_wait3A_12] : memref<1000000x64xf32, #tpu.memory_space<hbm>> -> memref<128x64xf32, #tpu.memory_space<hbm>>
    %dma_wait3A_14 = arith.constant 0 : i32
    %dma_wait3A_15 = arith.constant 0 : i32
    %dma_wait3A_16 = tpu.memref_slice %arg2[%dma_wait3A_14, %dma_wait3A_15] : memref<1000000x64xf32, #tpu.memory_space<hbm>> -> memref<128x64xf32, #tpu.memory_space<hbm>>
    tpu.wait_dma2 semaphore(%arg12 : memref<!tpu.dma_semaphore, #tpu.memory_space<semaphore_mem>>) src(%dma_wait3A_16 : memref<128x64xf32, #tpu.memory_space<hbm>>) dst(%arg10 : memref<128x64xf32, #tpu.memory_space<vmem>>)
    %dma_wait3A_17 = arith.constant 0 : i32
    %dma_wait3A_18 = arith.constant 0 : i32
    %dma_wait3A_19 = tpu.memref_slice %arg3[%dma_wait3A_17, %dma_wait3A_18] : memref<1000000x64xf32, #tpu.memory_space<hbm>> -> memref<128x64xf32, #tpu.memory_space<hbm>>
    %dma_wait3A_20 = arith.constant 0 : i32
    %dma_wait3A_21 = arith.constant 0 : i32
    %dma_wait3A_22 = tpu.memref_slice %arg3[%dma_wait3A_20, %dma_wait3A_21] : memref<1000000x64xf32, #tpu.memory_space<hbm>> -> memref<128x64xf32, #tpu.memory_space<hbm>>
    tpu.wait_dma2 semaphore(%arg13 : memref<!tpu.dma_semaphore, #tpu.memory_space<semaphore_mem>>) src(%dma_wait3A_22 : memref<128x64xf32, #tpu.memory_space<hbm>>) dst(%arg11 : memref<128x64xf32, #tpu.memory_space<vmem>>)
    "tpu.region"() ({
      %run_scoped3A = tpu.sem_alloc : memref<!tpu.dma_semaphore, #tpu.memory_space<semaphore_mem>>
      %dma_start3A = arith.constant 0 : i32
      %dma_start3A_23 = tpu.memref_slice %arg6[%mul3A_2, %dma_start3A] : memref<4096x64xf32, #tpu.memory_space<hbm>> -> memref<128x64xf32, #tpu.memory_space<hbm>>
      %dma_start3A_24 = arith.constant 0 : i32
      %dma_start3A_25 = tpu.memref_slice %arg6[%mul3A_2, %dma_start3A_24] : memref<4096x64xf32, #tpu.memory_space<hbm>> -> memref<128x64xf32, #tpu.memory_space<hbm>>
      tpu.enqueue_dma source(%arg10 : memref<128x64xf32, #tpu.memory_space<vmem>>) target(%dma_start3A_25 : memref<128x64xf32, #tpu.memory_space<hbm>>) target_semaphore(%run_scoped3A : memref<!tpu.dma_semaphore, #tpu.memory_space<semaphore_mem>>)
      %dma_wait3A_26 = arith.constant 0 : i32
      %dma_wait3A_27 = tpu.memref_slice %arg6[%mul3A_2, %dma_wait3A_26] : memref<4096x64xf32, #tpu.memory_space<hbm>> -> memref<128x64xf32, #tpu.memory_space<hbm>>
      %dma_wait3A_28 = arith.constant 0 : i32
      %dma_wait3A_29 = tpu.memref_slice %arg6[%mul3A_2, %dma_wait3A_28] : memref<4096x64xf32, #tpu.memory_space<hbm>> -> memref<128x64xf32, #tpu.memory_space<hbm>>
      tpu.wait_dma2 semaphore(%run_scoped3A : memref<!tpu.dma_semaphore, #tpu.memory_space<semaphore_mem>>) src(%arg10 : memref<128x64xf32, #tpu.memory_space<vmem>>) dst(%dma_wait3A_29 : memref<128x64xf32, #tpu.memory_space<hbm>>)
      tpu.yield
    }) : () -> ()
    "tpu.region"() ({
      %run_scoped3A = tpu.sem_alloc : memref<!tpu.dma_semaphore, #tpu.memory_space<semaphore_mem>>
      %dma_start3A = arith.constant 0 : i32
      %dma_start3A_23 = tpu.memref_slice %arg7[%mul3A_2, %dma_start3A] : memref<4096x64xf32, #tpu.memory_space<hbm>> -> memref<128x64xf32, #tpu.memory_space<hbm>>
      %dma_start3A_24 = arith.constant 0 : i32
      %dma_start3A_25 = tpu.memref_slice %arg7[%mul3A_2, %dma_start3A_24] : memref<4096x64xf32, #tpu.memory_space<hbm>> -> memref<128x64xf32, #tpu.memory_space<hbm>>
      tpu.enqueue_dma source(%arg11 : memref<128x64xf32, #tpu.memory_space<vmem>>) target(%dma_start3A_25 : memref<128x64xf32, #tpu.memory_space<hbm>>) target_semaphore(%run_scoped3A : memref<!tpu.dma_semaphore, #tpu.memory_space<semaphore_mem>>)
      %dma_wait3A_26 = arith.constant 0 : i32
      %dma_wait3A_27 = tpu.memref_slice %arg7[%mul3A_2, %dma_wait3A_26] : memref<4096x64xf32, #tpu.memory_space<hbm>> -> memref<128x64xf32, #tpu.memory_space<hbm>>
      %dma_wait3A_28 = arith.constant 0 : i32
      %dma_wait3A_29 = tpu.memref_slice %arg7[%mul3A_2, %dma_wait3A_28] : memref<4096x64xf32, #tpu.memory_space<hbm>> -> memref<128x64xf32, #tpu.memory_space<hbm>>
      tpu.wait_dma2 semaphore(%run_scoped3A : memref<!tpu.dma_semaphore, #tpu.memory_space<semaphore_mem>>) src(%arg11 : memref<128x64xf32, #tpu.memory_space<vmem>>) dst(%dma_wait3A_29 : memref<128x64xf32, #tpu.memory_space<hbm>>)
      tpu.yield
    }) : () -> ()
    return
  }
}

module attributes {stable_mosaic.version = 14 : i64} {
  func.func @body(%arg0: i32, %arg1: memref<512x64xf32, #tpu.memory_space<vmem>>, %arg2: memref<4096x64xf32, #tpu.memory_space<vmem>>, %arg3: memref<1xf32, #tpu.memory_space<smem>>) attributes {dimension_semantics = [#tpu.dimension_semantics<arbitrary>], iteration_bounds = array<i64: 8>, scalar_prefetch = 0 : i64, scratch_operands = 0 : i64, tpu.core_type = #tpu.core_type<tc>, window_params = [{transform_indices = @transform_0, window_bounds = array<i64: 512, 64>}, {pipeline_mode = #tpu.pipeline_mode<synchronous>, transform_indices = @transform_1, window_bounds = array<i64: 4096, 64>}, {transform_indices = @transform_2, window_bounds = array<i64: 1>}]} {
    %get3A = arith.constant 0 : index
    %get3A_0 = arith.constant 0 : index
    %get3A_1 = vector.load %arg1[%get3A, %get3A_0] : memref<512x64xf32, #tpu.memory_space<vmem>>, vector<512x64xf32>
    %get3A_2 = arith.constant 0 : index
    %get3A_3 = arith.constant 0 : index
    %get3A_4 = vector.load %arg2[%get3A_2, %get3A_3] : memref<4096x64xf32, #tpu.memory_space<vmem>>, vector<4096x64xf32>
    %dot_general3A = arith.constant dense<0.000000e+00> : vector<512x4096xf32>
    %dot_general3A_5 = tpu.matmul %get3A_1, %get3A_4, %dot_general3A {dimension_numbers = #tpu.dot_dimension_numbers<[1], [1], [0], [0], [0, 0, 1, 0], [], []>, transpose_lhs_hint = false} : vector<512x64xf32>, vector<4096x64xf32>, vector<512x4096xf32> -> vector<512x4096xf32>
    %reduce_max3A = arith.constant dense<0xFF800000> : vector<512xf32>
    %reduce_max3A_6 = vector.multi_reduction <maximumf>, %dot_general3A_5, %reduce_max3A [1] : vector<512x4096xf32> to vector<512xf32>
    %broadcast_in_dim3A = vector.shape_cast %reduce_max3A_6 : vector<512xf32> to vector<512x1xf32>
    %sub3A = vector.broadcast %broadcast_in_dim3A : vector<512x1xf32> to vector<512x4096xf32>
    %sub3A_7 = arith.subf %dot_general3A_5, %sub3A : vector<512x4096xf32>
    %exp3A = math.exp %sub3A_7 : vector<512x4096xf32>
    %reduce_sum3A = arith.constant dense<0.000000e+00> : vector<512xf32>
    %reduce_sum3A_8 = vector.multi_reduction <add>, %exp3A, %reduce_sum3A [1] : vector<512x4096xf32> to vector<512xf32>
    %log3A = math.log %reduce_sum3A_8 : vector<512xf32>
    %add3A = arith.addf %reduce_max3A_6, %log3A : vector<512xf32>
    %iota3A = tpu.iota {dimensions = array<i32: 0>} : vector<512x4096xi32>
    %iota3A_9 = tpu.iota {dimensions = array<i32: 1>} : vector<512x4096xi32>
    %mul3A = arith.constant 512 : i32
    %mul3A_10 = arith.muli %arg0, %mul3A : i32
    %add3A_11 = vector.broadcast %mul3A_10 : i32 to vector<512x4096xi32>
    %add3A_12 = arith.addi %iota3A, %add3A_11 : vector<512x4096xi32>
    %eq3A = arith.cmpi eq, %iota3A_9, %add3A_12 : vector<512x4096xi32>
    %jit3A = arith.constant 0.000000e+00 : f32
    %broadcast_in_dim3A_13 = vector.broadcast %jit3A : f32 to vector<512x4096xf32>
    %select_n3A = arith.select %eq3A, %dot_general3A_5, %broadcast_in_dim3A_13 : vector<512x4096xi1>, vector<512x4096xf32>
    %reduce_sum3A_14 = arith.constant dense<0.000000e+00> : vector<512xf32>
    %reduce_sum3A_15 = vector.multi_reduction <add>, %select_n3A, %reduce_sum3A_14 [1] : vector<512x4096xf32> to vector<512xf32>
    %sub3A_16 = arith.subf %add3A, %reduce_sum3A_15 : vector<512xf32>
    %reduce_sum3A_17 = vector.shape_cast %sub3A_16 : vector<512xf32> to vector<1x512xf32>
    %reduce_sum3A_18 = arith.constant dense<0.000000e+00> : vector<1xf32>
    %reduce_sum3A_19 = vector.multi_reduction <add>, %reduce_sum3A_17, %reduce_sum3A_18 [1] : vector<1x512xf32> to vector<1xf32>
    %reduce_sum3A_20 = vector.shape_cast %reduce_sum3A_19 : vector<1xf32> to vector<1x1xf32>
    %reduce_sum3A_21 = vector.extract %reduce_sum3A_20[0, 0] : f32 from vector<1x1xf32>
    %eq3A_22 = arith.constant 0 : i32
    %eq3A_23 = arith.cmpi eq, %arg0, %eq3A_22 : i32
    %convert_element_type3A = arith.extui %eq3A_23 : i1 to i32
    %cond3A = arith.constant 0 : i32
    %cond3A_24 = arith.cmpi ne, %convert_element_type3A, %cond3A : i32
    scf.if %cond3A_24 {
      %swap3A_34 = arith.constant 0.000000e+00 : f32
      %swap3A_35 = arith.constant 0 : index
      %swap3A_36 = memref.load %arg3[%swap3A_35] : memref<1xf32, #tpu.memory_space<smem>>
      memref.store %swap3A_34, %arg3[%swap3A_35] : memref<1xf32, #tpu.memory_space<smem>>
    } else {
    }
    %get3A_25 = arith.constant 0 : index
    %get3A_26 = memref.load %arg3[%get3A_25] : memref<1xf32, #tpu.memory_space<smem>>
    %add3A_27 = arith.addf %get3A_26, %reduce_sum3A_21 : f32
    %swap3A = arith.constant 0 : index
    %swap3A_28 = memref.load %arg3[%swap3A] : memref<1xf32, #tpu.memory_space<smem>>
    memref.store %add3A_27, %arg3[%swap3A] : memref<1xf32, #tpu.memory_space<smem>>
    %eq3A_29 = arith.constant 7 : i32
    %eq3A_30 = arith.cmpi eq, %arg0, %eq3A_29 : i32
    %convert_element_type3A_31 = arith.extui %eq3A_30 : i1 to i32
    %cond3A_32 = arith.constant 0 : i32
    %cond3A_33 = arith.cmpi ne, %convert_element_type3A_31, %cond3A_32 : i32
    scf.if %cond3A_33 {
      %get3A_34 = arith.constant 0 : index
      %get3A_35 = memref.load %arg3[%get3A_34] : memref<1xf32, #tpu.memory_space<smem>>
      %mul3A_36 = arith.constant 2.44140625E-4 : f32
      %mul3A_37 = arith.mulf %get3A_35, %mul3A_36 : f32
      %swap3A_38 = arith.constant 0 : index
      %swap3A_39 = memref.load %arg3[%swap3A_38] : memref<1xf32, #tpu.memory_space<smem>>
      memref.store %mul3A_37, %arg3[%swap3A_38] : memref<1xf32, #tpu.memory_space<smem>>
    } else {
    }
    return
  }
  func.func @transform_0(%arg0: i32) -> (i32, i32) {
    %c0_i32 = arith.constant 0 : i32
    %c0_i32_0 = arith.constant 0 : i32
    return %arg0, %c0_i32 : i32, i32
  }
  func.func @transform_1(%arg0: i32) -> (i32, i32) {
    %c0_i32 = arith.constant 0 : i32
    %c0_i32_0 = arith.constant 0 : i32
    %c0_i32_1 = arith.constant 0 : i32
    return %c0_i32, %c0_i32_0 : i32, i32
  }
  func.func @transform_2(%arg0: i32) -> i32 {
    %c0_i32 = arith.constant 0 : i32
    %c0_i32_0 = arith.constant 0 : i32
    return %c0_i32 : i32
  }
}

</mosaic_0001>

<sc_bundles>
// kernel: kernel.4.cloned.1.call-start
scs
__scs_entry_jumppad:
0x0: {  	(pc) =	sbr.rel $0x88, $3  }
0x1: {  	(tag) =	ssettag $0x0;
	lr =	simm.s32 $0x1  }
0x2: {  	[smem:$0x3F9D] =	sst lr;
	_ =	strace $0xD0000000  }
0x3: {  	_ = 	snop  }
0x4: {  	_ = 	snop  }
0x5: {  	_ = 	snop  }
0x6: {  	_ = 	snop  }
0x7: {  	_ = 	snop  }
__scs_overlays_trampoline_lowered:
0x8: {  	[smem:$0x3FAC] =	sst s0  }
0x9: {  	[smem:$0x3FAD] =	sst s1  }
0xa: {  	[smem:$0x3FAE] =	sst s2  }
0xb: {  	[smem:$0x3FAF] =	sst s3  }
0xc: {  	[smem:$0x3FB0] =	sst s4  }
0xd: {  	[smem:$0x3FB1] =	sst s5  }
0xe: {  	[smem:$0x3FB2] =	sst s6  }
0xf: {  	[smem:$0x3FB3] =	sst s7  }
0x10: {  	[smem:$0x3FB4] =	sst s8  }
0x11: {  	[smem:$0x3FB5] =	sst s9;
	s0 =	simm.s32 @!p0 $0x0  }
0x12: {  	s1 =	sld [smem:$0x3F9B];
	s0 =	simm.s32 @p0 $0x1  }
0x13: {  	[smem:$0x3FB6] =	sst s0;
	s0 =	simm.s32 @!p1 $0x0  }
0x14: {  	s2 =	sld [smem:$0x3F9A];
	s0 =	simm.s32 @p1 $0x1  }
0x15: {  	[smem:$0x3FB7] =	sst s0;
	s0 =	simm.s32 @!p2 $0x0  }
0x16: {  	s3 =	sld [smem:$0x3FDB];
	s0 =	simm.s32 @p2 $0x1  }
0x17: {  	s4 =	simm.s32 $0x1BF5;
	[smem:$0x3FB9] =	sst s0  }
0x18: {  	s0 =	sld [smem:$0x3F9C];
	_ =	swait.ge [sflag:s4], $0x0  }
0x19: {  	s7 =	sld [smem:$0x3F9D]  }
0x1a: {  	s8 =	sadd.s32 $0xFFFFE003, lr  }
0x1b: {  	s9 =	sadd.s32 $0xFFFFFEF7, lr;
	s5 =	simm.s32 $0xFFFFFFFF;
	p2 =	slt.u32 s8, $0xFFFFF086  }
0x1c: {  	p1 =	slt.u32 s9, $0xF7A;
	s5 =	simm.s32 @!p2 $0x0  }
0x1d: {  	s5 =	simm.s32 @p1 $0x1;
	p0 =	seq.s32 s7, s2  }
0x1e: {  	s7 =	smul.u32 @!p0 $0xF7A, s2;
	p2 =	seq.s32 @!p0 s5, $0x0  }
0x1f: {  	s9 =	smul.u32 $0xF7A, s1;
	s8 =	simm.s32 @!p0 $0x1BF5;
	p2 =	por !p2, p0  }
0x20: {  	[sflag:s8] =	ssyncset.s32 @!p0 $0xFFFFF086;
	s6 =	sadd.s32 @!p0 s3, s7;
	s7 =	simm.s32 @!p0 $0x108  }
0x21: {  	s3 =	sadd.s32 s3, s9;
	s6 =	sadd.s32 @!p0 $0x88, s6;
	s7 =	simm.s32 @p2 $0x1082  }
0x22: {  	[simem:s7], [sflag:s8] =	dma.local @!p0 [hbm:s6], $0xF7A  }
0x23: {  	s9 =	sor.u32 $0xD0000000, s2;
	s6 =	simm.s32 $0x108;
	_ =	swait.ge @!p0 [sflag:s8], $0x0  }
0x24: {  	s3 =	sadd.s32 $0x88, s3;
	s6 =	simm.s32 @!p1 $0x1082;
	[sflag:s4] =	ssyncset.s32 $0xFFFFF086  }
0x25: {  	[simem:s6], [sflag:s4] =	dma.local [hbm:s3], $0xF7A  }
0x26: {  	[smem:$0x3F9D] =	sst s1;
	(tag) =	ssettag s2;
	_ =	strace s9  }
0x27: {  	s1 =	sld [smem:$0x3FAD]  }
0x28: {  	s2 =	sld [smem:$0x3FAE]  }
0x29: {  	s4 =	sld [smem:$0x3FB0]  }
0x2a: {  	p0 =	seq.s32 s5, $0x0;
	s5 =	sld [smem:$0x3FB1]  }
0x2b: {  	s6 =	sld [smem:$0x3FB2]  }
0x2c: {  	s7 =	sld [smem:$0x3FB3]  }
0x2d: {  	s3 =	simm.s32 $0x108;
	s8 =	sld [smem:$0x3FB4]  }
0x2e: {  	s3 =	simm.s32 @!p0 $0x1082;
	s9 =	sld [smem:$0x3FB5]  }
0x2f: {  	lr =	sadd.s32 s0, s3;
	s0 =	sld [smem:$0x3FAC]  }
0x30: {  	s3 =	sld [smem:$0x3FAF]  }
0x31: {  	[smem:$0x3FB8] =	sst s10  }
0x32: {  	s10 =	sld [smem:$0x3FB6];
	_ =	sdelay $0x3  }
0x33: {  	p0 =	seq.s32 s10, $0x1;
	s10 =	sld [smem:$0x3FB8];
	_ =	sdelay $0x3  }
0x34: {  	[smem:$0x3FB8] =	sst s10  }
0x35: {  	s10 =	sld [smem:$0x3FB7];
	_ =	sdelay $0x3  }
0x36: {  	p1 =	seq.s32 s10, $0x1;
	s10 =	sld [smem:$0x3FB8];
	_ =	sdelay $0x3  }
0x37: {  	[smem:$0x3FB8] =	sst s10  }
0x38: {  	s10 =	sld [smem:$0x3FB9]  }
0x39: {  	_ = 	snop;
	(pc) =	sbr.ind lr, $3  }
0x3a: {  	_ = 	snop  }
0x3b: {  	_ = 	snop  }
0x3c: {  	p2 =	seq.s32 s10, $0x1;
	s10 =	sld [smem:$0x3FB8]  }
0x3d: {  	_ =	shalt  }
0x3e: {  	_ =	shalt  }
0x3f: {  	_ =	shalt  }
0x40: {  	_ =	shalt  }
0x41: {  	_ =	shalt  }
0x42: {  	_ =	shalt  }
0x43: {  	_ =	shalt  }
0x44: {  	_ =	shalt  }
0x45: {  	_ =	shalt  }
0x46: {  	_ =	shalt  }
0x47: {  	_ =	shalt  }
0x48: {  	_ =	shalt  }
0x49: {  	_ =	shalt  }
0x4a: {  	_ =	shalt  }
0x4b: {  	_ =	shalt  }
0x4c: {  	_ =	shalt  }
0x4d: {  	_ =	shalt  }
0x4e: {  	_ =	shalt  }
0x4f: {  	_ =	shalt  }
0x50: {  	_ =	shalt  }
0x51: {  	_ =	shalt  }
0x52: {  	_ =	shalt  }
0x53: {  	_ =	shalt  }
0x54: {  	_ =	shalt  }
0x55: {  	_ =	shalt  }
0x56: {  	_ =	shalt  }
0x57: {  	_ =	shalt  }
0x58: {  	_ =	shalt  }
0x59: {  	_ =	shalt  }
0x5a: {  	_ =	shalt  }
0x5b: {  	_ =	shalt  }
0x5c: {  	_ =	shalt  }
0x5d: {  	_ =	shalt  }
0x5e: {  	_ =	shalt  }
0x5f: {  	_ =	shalt  }
0x60: {  	_ =	shalt  }
0x61: {  	_ =	shalt  }
0x62: {  	_ =	shalt  }
0x63: {  	_ =	shalt  }
0x64: {  	_ =	shalt  }
0x65: {  	_ =	shalt  }
0x66: {  	_ =	shalt  }
0x67: {  	_ =	shalt  }
0x68: {  	_ =	shalt  }
0x69: {  	_ =	shalt  }
0x6a: {  	_ =	shalt  }
0x6b: {  	_ =	shalt  }
0x6c: {  	_ =	shalt  }
0x6d: {  	_ =	shalt  }
0x6e: {  	_ =	shalt  }
0x6f: {  	_ =	shalt  }
0x70: {  	_ =	shalt  }
0x71: {  	_ =	shalt  }
0x72: {  	_ =	shalt  }
0x73: {  	_ =	shalt  }
0x74: {  	_ =	shalt  }
0x75: {  	_ =	shalt  }
0x76: {  	_ =	shalt  }
0x77: {  	_ =	shalt  }
0x78: {  	_ =	shalt  }
0x79: {  	_ =	shalt  }
0x7a: {  	_ =	shalt  }
0x7b: {  	_ =	shalt  }
0x7c: {  	_ =	shalt  }
0x7d: {  	_ =	shalt  }
0x7e: {  	_ =	shalt  }
0x7f: {  	_ =	shalt  }
0x80: {  	_ =	shalt  }
0x81: {  	_ =	shalt  }
0x82: {  	_ =	shalt  }
0x83: {  	_ =	shalt  }
0x84: {  	_ =	shalt  }
0x85: {  	_ =	shalt  }
0x86: {  	_ =	shalt  }
0x87: {  	_ =	shalt  }
.Lfunc_end0:
.L_simem_size_0:
called_computation_lowered:
.L_overlay_start_0:
0x88: {  	s2 =	sld [smem:$0x3FD9]  }
0x89: {  	s3 =	sld [smem:$0x3FFE];
	_ =	sdelay $0x1  }
0x8a: {  	s1 =	srdreg.scid  }
0x8b: {  	s0 =	sand.u32 $0x1, s1  }
0x8c: {  	s17 =	sshll.u32 s0, $0xA;
	s2 =	sadd.s32 s3, s2  }
0x8d: {  	s2 =	sadd.s32 s2, s17  }
0x8e: {  	[smem:$0x3FC4] =	sst s2  }
0x8f: {  	_ = 	snop  }
0x90: {  	s2 =	sld [smem:$0x3FC7]  }
0x91: {  	s18 =	sld [smem:$0x3FC6];
	(tm) =	ssettm $0x1  }
0x92: {  	s4 =	sld [smem:$0x3FFB];
	_ =	sdelay $0x3  }
0x93: {  	_ =	strace s4  }
0x94: {  	s4 =	sld [smem:$0x3FFC];
	_ =	sdelay $0x3  }
0x95: {  	_ =	strace s4  }
0x96: {  	s4 =	sld [smem:$0x3FFD];
	_ =	sdelay $0x3  }
0x97: {  	_ =	strace s4  }
0x98: {  	_ =	strace $0x8FFFFFFF  }
0x99: {  	s19 =	sld [smem:$0x3FDB];
	_ =	sdelay $0x1  }
0x9a: {  	s5 =	simm.s32 $_scs_section_size  }
0x9b: {  	s6 =	simm.s32 $_size__tile_overlayer_lowered;
	s7 =	simm.s32 $_tile_overlayer_lowered  }
0x9c: {  	s22 =	simm.s32 $0x1BFF;
	s21 =	sshll.u32 s7, $0x1;
	s4 =	sadd.s32 s5, s19  }
0x9d: {  	s8 =	simm.s32 $0x0;
	s20 =	sshll.u32 s6, $0x1;
	s6 =	sadd.s32 s21, s4  }
0x9e: {  	[timem:s8], [sflag:s22] =	dma.local [hbm:s6], s20  }
0x9f: {  	_ =	swait.ge [sflag:s22], s20  }
0xa0: {  	s5 =	ssub.s32 $0x0, s20;
	[sflag:s22] =	ssyncset.done $0x0  }
0xa1: {  	[sflag:s22] =	ssyncadd.s32 s5;
	_ =	sdelay $0x1  }
0xa2: {  	s23 =	simm.s32 $0x1B8B  }
0xa3: {  	_ =	swait.ge [sflag:s23], $0x1  }
0xa4: {  	[sflag:s23] =	ssyncset.done $0x0  }
0xa5: {  	s25 =	simm.s32 $0x1B8E;
	s24 =	sld [smem:$0x3FFE];
	[sflag:s23] =	ssyncadd.s32 $0xFFFFFFFF  }
0xa6: {  	s26 =	simm.s32 $execute0_lowered;
	[smem:$0x3FD2] =	sst s25  }
0xa7: {  	s6 =	sshll.u32 s26, $0x1;
	_ =	strace $0x80000046;
	[dreg:$0x1] =	wrdreg $0xFFFFFFFF  }
0xa8: {  	s28 =	simm.s32 $_size_execute0_lowered;
	s4 =	sadd.s32 s4, s6;
	[dreg:$0x0] =	wrdreg $0x0  }
0xa9: {  	s6 =	sshll.u32 s28, $0x1;
	[dreg:$0x2] =	wrdreg s4  }
0xaa: {  	[dreg:$0x3] =	wrdreg s6  }
0xab: {  	[dreg:$0x4] =	wrdreg $0xC0  }
0xac: {  	_ =	task [dreg:s8], $0x5FFFF  }
0xad: {  	[dreg:$0x1] =	wrdreg $0xFFFFFFFF  }
0xae: {  	[dreg:$0x0] =	wrdreg $0x60  }
0xaf: {  	[dreg:$0x2] =	wrdreg s24  }
0xb0: {  	[dreg:$0x3] =	wrdreg s2  }
0xb1: {  	[dreg:$0x4] =	wrdreg s18  }
0xb2: {  	[dreg:$0x5] =	wrdreg $0x9  }
0xb3: {  	_ =	task.clear_ibuf [dreg:s8], $0x6FFFF;
	_ =	strace $0x90000046  }
0xb4: {  	s29 =	simm.s32 $0x9;
	_ =	strace $0x80000048  }
0xb5: {  	_ =	swait.ge [sflag:s29], $0x1  }
0xb6: {  	[sflag:s29] =	ssyncadd.s32 $0xFFFFFFFF  }
0xb7: {  	_ =	strace $0x90000048  }
0xb8: {  	_ =	sfence  }
0xb9: {  	s30 =	sld [smem:$0x0];
	_ =	sdelay $0x2  }
0xba: {  	s31 =	sshll.u32 s1, $0xD;
	s1 =	sshrl.u32 s1, $0x2  }
0xbb: {  	s3 =	sand.u32 $0x4000, s31;
	s1 =	sadd.s32 s1, s30  }
0xbc: {  	s0 =	sor.u32 s3, s0;
	s1 =	sshll.u32 s1, $0x11  }
0xbd: {  	s0 =	sor.u32 s1, s0  }
0xbe: {  	s0 =	sadd.s32 $0x8F2B, s0  }
0xbf: {  	[sflag:s0] =	ssyncadd.remote.s32 $0x1  }
0xc0: {  	_ =	sfence.sel $0xFFFF  }
0xc1: {  	[dreg:$0x0] =	wrdreg $0xFFFFFFFF;
	(pc) =	sbr.abs _section_cstart, $3  }
0xc2: {  	[dreg:$0x1] =	wrdreg $0xFFFFFFFF  }
0xc3: {  	_ =	task.clear_ibuf [dreg:s8], $0x2FFFF;
	_ =	strace $0x9FFFFFFF  }
0xc4: {  	(tm) =	ssettm $0x7FFFFFFF  }
0xc5: {  	_ =	shalt  }
tec
execute0_lowered:
.L_overlay_start_1:
0x0: {  	(tag) =	ssettag $0x1  }
0x1: {  	s5 =	rddreg [dreg:$0x0]  }
0x2: {  	s6 =	rddreg [dreg:$0x1]  }
0x3: {  	s7 =	rddreg [dreg:$0x2];
	s2 =	simm.s32 $0x0  }
0x4: {  	s3 =	srdreg.scid;
	s0 =	stileid.u32;
	s12 =	simm.s32 $0x1  }
0x5: {  	s13 =	simm.s32 $0x2;
	s16 =	simm.s32 $0x0;
	s4 =	sand.u32 $0x1, s3  }
0x6: {  	[smem:$0x7FF] =	sst s2;
	s8 =	sshll.u32 s0, $0x8;
	s9 =	sshll.u32 s4, $0x7  }
0x7: {  	s3 =	sadd.s32 $0xC00, s5;
	_ =	strace $0x80000047;
	s8 =	sor.u32 s9, s8  }
0x8: {  	s29 =	ssub.s32 $0x2, s4;
	s10 =	sshll.u32 s8, $0x4;
	s8 =	sshrl.u32 s8, $0x3  }
0x9: {  	s4 =	sadd.s32 $0xF43000, s5;
	s11 =	sshrl.u32 s29, $0x1;
	s30 =	sadd.s32 s6, s8  }
0xa: {  	s9 =	ssub.s32 s29, s11;
	s31 =	sadd.s32 s7, s8;
	[dreg:$0x4] =	wrdreg s30  }
0xb: {  	s10 =	sadd.s32 s10, s5;
	s9 =	smax.u32 s9, $0x1;
	[dreg:$0x5] =	wrdreg s31  }
0xc: {  	s7 =	sadd.s32 $0x1E85400, s10;
	s8 =	sadd.s32 $0x1E95400, s10;
	s10 =	simm.s32 $0x3  }
.LBB2_1:
0xd: {  	s0 =	rddreg [dreg:$0x4]  }
0xe: {  	[tilespmem:s2], [sflag:$0x3] =	stream.linear.gather [hbm4b:s0+s2], $0x80, $0x38;
	[tilespmem:$0x8100] =	vst v63  }
0xf: {  	_ =	swait.ge [sflag:s10], $0x80  }
0x10: {  	[sflag:s10] =	ssyncset.done $0x0  }
0x11: {  	s1 =	simm.s32 $0x80;
	s31 =	rddreg [dreg:$0x5];
	[sflag:s10] =	ssyncadd.s32 $0xFFFFFF80  }
0x12: {  	[tilespmem:s1], [sflag:$0x3] =	stream.linear.gather [hbm4b:s31+s2], $0x80, $0x38;
	[tilespmem:$0x8100] =	vst v63  }
0x13: {  	_ =	swait.ge [sflag:s10], $0x80  }
0x14: {  	[sflag:s10] =	ssyncset.done $0x0  }
0x15: {  	[sflag:s10] =	ssyncadd.s32 $0xFFFFFF80  }
0x16: {  	v0 =	vld [tilespmem:s2+$0x0];
	_ =	sdelay $0x4  }
0x17: {  	v0 =	vshll.u32 v0, $0x4  }
0x18: {  	(v2sf) =	vpush v0, $0x0  }
0x19: {  	(v2sf) =	vpush v0, $0x1  }
0x1a: {  	(v2sf) =	vpush v0, $0x2;
	_ =	sdelay $0x1  }
0x1b: {  	(v2sf) =	vpush v0, $0x4;
	_ =	sdelay $0x1  }
0x1c: {  	(v2sf) =	vpush v0, $0x3  }
0x1d: {  	(v2sf) =	vpush v0, $0x5  }
0x1e: {  	s19 =	simm.s32 $0x2000;
	s18 =	simm.s32 $0x0;
	s20 =	simm.s32 $0x0;
	(v2sf) =	vpush v0, $0x6  }
.LBB2_2:
0x1f: {  	p0 =	sne.s32 s19, $0xE000  }
0x20: {  	s31 =	sadd.s32 $0x180, s18;
	s24 =	sadd.s32 $0x680, s18;
	s21 =	smov.u32 s19  }
0x21: {  	s19 =	sadd.s32 $0x2000, s19;
	s28 =	sadd.s32 $0x480, s18;
	s22 =	sadd.s32 $0x700, s18;
	(v2sf) =	vpush v0, $0x7  }
0x22: {  	s30 =	sadd.s32 $0x380, s18;
	s25 =	sadd.s32 $0x500, s18;
	s23 =	sadd.s32 $0x780, s18  }
0x23: {  	s0 =	sadd.s32 $0x100, s18;
	s1 =	sadd.s32 $0x300, s18;
	(v2sf) =	vpush v0, $0x8  }
0x24: {  	s17 =	simm.s32 $0x0;
	s11 =	sadd.s32 $0x400, s18;
	s20 =	sadd.s32 $0x10, s20  }
0x25: {  	s14 =	sadd.s32 $0x200, s18;
	s26 =	sadd.s32 $0x600, s18;
	s29 =	spop (v2sf);
	(v2sf) =	vpush v0, $0x9  }
0x26: {  	s15 =	sand.u32 $0x1FFFFFF0, s29;
	s29 =	sadd.s32 $0x580, s18;
	s5 =	spop (v2sf)  }
0x27: {  	s15 =	sadd.s32 s3, s15;
	s5 =	sand.u32 $0x1FFFFFF0, s5;
	s6 =	spop (v2sf);
	(v2sf) =	vpush v0, $0xA  }
0x28: {  	[tilespmem:s0], [sflag:$0x1] =	stream.linear.gather [hbm4b:s15+s17], $0x80, $0x38;
	[tilespmem:$0x8100] =	vst v63  }
0x29: {  	s0 =	sadd.s32 s3, s5;
	s5 =	sadd.s32 $0x280, s18;
	s15 =	spop (v2sf);
	(v2sf) =	vpush v0, $0xB  }
0x2a: {  	[tilespmem:s31], [sflag:$0x1] =	stream.linear.gather [hbm4b:s0+s17], $0x80, $0x38;
	[tilespmem:$0x8100] =	vst v63  }
0x2b: {  	s0 =	sand.u32 $0x1FFFFFF0, s6;
	s6 =	sand.u32 $0x1FFFFFF0, s15;
	s15 =	spop (v2sf);
	(v2sf) =	vpush v0, $0xC  }
0x2c: {  	s0 =	sadd.s32 s3, s0;
	s15 =	sand.u32 $0x1FFFFFF0, s15;
	s31 =	spop (v2sf)  }
0x2d: {  	[tilespmem:s14], [sflag:$0x1] =	stream.linear.gather [hbm4b:s0+s17], $0x80, $0x38;
	(v2sf) =	vpush v0, $0xD;
	[tilespmem:$0x8100] =	vst v63  }
0x2e: {  	s0 =	sadd.s32 s3, s15;
	s14 =	sand.u32 $0x1FFFFFF0, s31;
	s15 =	spop (v2sf)  }
0x2f: {  	[tilespmem:s5], [sflag:$0x1] =	stream.linear.gather [hbm4b:s0+s17], $0x80, $0x38;
	(v2sf) =	vpush v0, $0xE;
	[tilespmem:$0x8100] =	vst v63  }
0x30: {  	s0 =	sadd.s32 s3, s6;
	s5 =	sand.u32 $0x1FFFFFF0, s15;
	s6 =	spop (v2sf)  }
0x31: {  	[tilespmem:s1], [sflag:$0x1] =	stream.linear.gather [hbm4b:s0+s17], $0x80, $0x38;
	(v2sf) =	vpush v0, $0xF;
	[tilespmem:$0x8100] =	vst v63  }
0x32: {  	s0 =	sadd.s32 s3, s14;
	s1 =	sand.u32 $0x1FFFFFF0, s6;
	s6 =	spop (v2sf)  }
0x33: {  	[tilespmem:s30], [sflag:$0x1] =	stream.linear.gather [hbm4b:s0+s17], $0x80, $0x38;
	[tilespmem:$0x8100] =	vst v63  }
0x34: {  	s0 =	sadd.s32 s3, s5;
	s5 =	sand.u32 $0x1FFFFFF0, s6;
	s6 =	spop (v2sf)  }
0x35: {  	[tilespmem:s11], [sflag:$0x1] =	stream.linear.gather [hbm4b:s0+s17], $0x80, $0x38;
	[tilespmem:$0x8100] =	vst v63  }
0x36: {  	s0 =	sadd.s32 s3, s1;
	s1 =	sand.u32 $0x1FFFFFF0, s6;
	s6 =	spop (v2sf)  }
0x37: {  	[tilespmem:s28], [sflag:$0x1] =	stream.linear.gather [hbm4b:s0+s17], $0x80, $0x38;
	[tilespmem:$0x8100] =	vst v63  }
0x38: {  	s0 =	sadd.s32 s3, s5;
	s5 =	sand.u32 $0x1FFFFFF0, s6;
	s6 =	spop (v2sf)  }
0x39: {  	[tilespmem:s25], [sflag:$0x1] =	stream.linear.gather [hbm4b:s0+s17], $0x80, $0x38;
	[tilespmem:$0x8100] =	vst v63  }
0x3a: {  	s0 =	sadd.s32 s3, s1;
	s1 =	sand.u32 $0x1FFFFFF0, s6;
	s6 =	spop (v2sf)  }
0x3b: {  	[tilespmem:s29], [sflag:$0x1] =	stream.linear.gather [hbm4b:s0+s17], $0x80, $0x38;
	[tilespmem:$0x8100] =	vst v63  }
0x3c: {  	s0 =	sadd.s32 s3, s5;
	s5 =	sand.u32 $0x1FFFFFF0, s6;
	s6 =	spop (v2sf)  }
0x3d: {  	[tilespmem:s26], [sflag:$0x1] =	stream.linear.gather [hbm4b:s0+s17], $0x80, $0x38;
	[tilespmem:$0x8100] =	vst v63  }
0x3e: {  	s0 =	sadd.s32 s3, s1;
	s1 =	sand.u32 $0x1FFFFFF0, s6;
	s6 =	spop (v2sf)  }
0x3f: {  	[tilespmem:s24], [sflag:$0x1] =	stream.linear.gather [hbm4b:s0+s17], $0x80, $0x38;
	[tilespmem:$0x8100] =	vst v63  }
0x40: {  	s0 =	sadd.s32 s3, s5;
	s5 =	sand.u32 $0x1FFFFFF0, s6;
	s6 =	spop (v2sf)  }
0x41: {  	[tilespmem:s22], [sflag:$0x1] =	stream.linear.gather [hbm4b:s0+s17], $0x80, $0x38;
	[tilespmem:$0x8100] =	vst v63  }
0x42: {  	s0 =	sadd.s32 s3, s1;
	s1 =	sand.u32 $0x1FFFFFF0, s6  }
0x43: {  	[tilespmem:s23], [sflag:$0x1] =	stream.linear.gather [hbm4b:s0+s17], $0x80, $0x38;
	[tilespmem:$0x8100] =	vst v63  }
0x44: {  	s5 =	sadd.s32 s3, s5;
	s0 =	sadd.s32 $0x800, s18  }
0x45: {  	[tilespmem:s0], [sflag:$0x1] =	stream.linear.gather [hbm4b:s5+s17], $0x80, $0x38;
	[tilespmem:$0x8100] =	vst v63  }
0x46: {  	s1 =	sadd.s32 s3, s1;
	s0 =	sadd.s32 $0x880, s18  }
0x47: {  	[tilespmem:s0], [sflag:$0x1] =	stream.linear.gather [hbm4b:s1+s17], $0x80, $0x38;
	[tilespmem:$0x8100] =	vst v63  }
0x48: {  	v0 =	vld [tilespmem:s20+$0x0];
	_ =	sdelay $0x4  }
0x49: {  	v0 =	vshll.u32 v0, $0x4  }
0x4a: {  	(v2sf) =	vpush v0, $0x0  }
0x4b: {  	(v2sf) =	vpush v0, $0x1  }
0x4c: {  	(v2sf) =	vpush v0, $0x2;
	_ =	sdelay $0x1  }
0x4d: {  	(v2sf) =	vpush v0, $0x4  }
.Ltmp0:
0x4e: {  	(pc) =	sbr.rel @p0 .LBB2_2-.Ltmp0, $3  }
0x4f: {  	(v2sf) =	vpush v0, $0x3  }
0x50: {  	(v2sf) =	vpush v0, $0x5;
	_ =	sdelay $0x1  }
0x51: {  	s18 =	sshra.s32 s21, $0x2;
	(v2sf) =	vpush v0, $0x6  }
0x52: {  	_ =	sdelay $0x1  }
0x53: {  	s0 =	sadd.s32 $0x180, s18;
	s21 =	sadd.s32 $0x680, s18  }
0x54: {  	s1 =	sadd.s32 $0x480, s18;
	s19 =	sadd.s32 $0x700, s18;
	(v2sf) =	vpush v0, $0x7;
	s5 =	sadd.s32 $0x380, s18  }
0x55: {  	s6 =	sadd.s32 $0x500, s18;
	s20 =	sadd.s32 $0x780, s18;
	s11 =	sadd.s32 $0x100, s18  }
0x56: {  	s14 =	sadd.s32 $0x300, s18;
	s15 =	sadd.s32 $0x400, s18;
	(v2sf) =	vpush v0, $0x8;
	s22 =	spop (v2sf)  }
0x57: {  	s23 =	sadd.s32 $0x200, s18;
	s22 =	sand.u32 $0x1FFFFFF0, s22;
	s24 =	spop (v2sf)  }
0x58: {  	(v2sf) =	vpush v0, $0x9;
	s22 =	sadd.s32 s3, s22;
	s24 =	sand.u32 $0x1FFFFFF0, s24;
	s25 =	spop (v2sf)  }
0x59: {  	[tilespmem:s11], [sflag:$0x1] =	stream.linear.gather [hbm4b:s22+s17], $0x80, $0x38;
	[tilespmem:$0x8100] =	vst v63  }
0x5a: {  	(v2sf) =	vpush v0, $0xA;
	s26 =	sadd.s32 s3, s24;
	s29 =	sand.u32 $0x1FFFFFF0, s25;
	s28 =	spop (v2sf)  }
0x5b: {  	[tilespmem:s0], [sflag:$0x1] =	stream.linear.gather [hbm4b:s26+s17], $0x80, $0x38;
	[tilespmem:$0x8100] =	vst v63  }
0x5c: {  	s11 =	sadd.s32 $0x600, s18;
	(v2sf) =	vpush v0, $0xB;
	s22 =	sadd.s32 s3, s29;
	s30 =	spop (v2sf)  }
0x5d: {  	s0 =	sadd.s32 $0x580, s18;
	s26 =	sadd.s32 $0x280, s18;
	s25 =	sand.u32 $0x1FFFFFF0, s30  }
0x5e: {  	(v2sf) =	vpush v0, $0xC;
	[tilespmem:s23], [sflag:$0x1] =	stream.linear.gather [hbm4b:s22+s17], $0x80, $0x38;
	[tilespmem:$0x8100] =	vst v63  }
0x5f: {  	s31 =	sand.u32 $0x1FFFFFF0, s28;
	s28 =	spop (v2sf);
	s29 =	sadd.s32 s3, s25  }
0x60: {  	(v2sf) =	vpush v0, $0xD;
	[tilespmem:s26], [sflag:$0x1] =	stream.linear.gather [hbm4b:s29+s17], $0x80, $0x38;
	[tilespmem:$0x8100] =	vst v63  }
0x61: {  	s22 =	sadd.s32 s3, s31;
	s23 =	sand.u32 $0x1FFFFFF0, s28;
	s30 =	spop (v2sf)  }
0x62: {  	(v2sf) =	vpush v0, $0xE;
	[tilespmem:s14], [sflag:$0x1] =	stream.linear.gather [hbm4b:s22+s17], $0x80, $0x38;
	[tilespmem:$0x8100] =	vst v63  }
0x63: {  	s23 =	sadd.s32 s3, s23;
	s31 =	sand.u32 $0x1FFFFFF0, s30;
	s24 =	spop (v2sf)  }
0x64: {  	(v2sf) =	vpush v0, $0xF;
	[tilespmem:s5], [sflag:$0x1] =	stream.linear.gather [hbm4b:s23+s17], $0x80, $0x38;
	[tilespmem:$0x8100] =	vst v63  }
0x65: {  	s25 =	sand.u32 $0x1FFFFFF0, s24;
	s26 =	spop (v2sf);
	s14 =	sadd.s32 s3, s31  }
0x66: {  	[tilespmem:s15], [sflag:$0x1] =	stream.linear.gather [hbm4b:s14+s17], $0x80, $0x38;
	[tilespmem:$0x8100] =	vst v63  }
0x67: {  	s28 =	sand.u32 $0x1FFFFFF0, s26;
	s5 =	sadd.s32 s3, s25;
	s29 =	spop (v2sf)  }
0x68: {  	[tilespmem:s1], [sflag:$0x1] =	stream.linear.gather [hbm4b:s5+s17], $0x80, $0x38;
	[tilespmem:$0x8100] =	vst v63  }
0x69: {  	s14 =	sadd.s32 s3, s28;
	s30 =	sand.u32 $0x1FFFFFF0, s29;
	s31 =	spop (v2sf)  }
0x6a: {  	[tilespmem:s6], [sflag:$0x1] =	stream.linear.gather [hbm4b:s14+s17], $0x80, $0x38;
	[tilespmem:$0x8100] =	vst v63  }
0x6b: {  	s5 =	sand.u32 $0x1FFFFFF0, s31;
	s1 =	sadd.s32 s3, s30;
	s14 =	spop (v2sf)  }
0x6c: {  	[tilespmem:s0], [sflag:$0x1] =	stream.linear.gather [hbm4b:s1+s17], $0x80, $0x38;
	[tilespmem:$0x8100] =	vst v63  }
0x6d: {  	s5 =	sadd.s32 s3, s5;
	s15 =	sand.u32 $0x1FFFFFF0, s14;
	s22 =	spop (v2sf)  }
0x6e: {  	[tilespmem:s11], [sflag:$0x1] =	stream.linear.gather [hbm4b:s5+s17], $0x80, $0x38;
	[tilespmem:$0x8100] =	vst v63  }
0x6f: {  	s0 =	sadd.s32 s3, s15;
	s1 =	sand.u32 $0x1FFFFFF0, s22;
	s23 =	spop (v2sf)  }
0x70: {  	[tilespmem:s21], [sflag:$0x1] =	stream.linear.gather [hbm4b:s0+s17], $0x80, $0x38;
	[tilespmem:$0x8100] =	vst v63  }
0x71: {  	s24 =	sand.u32 $0x1FFFFFF0, s23;
	s1 =	sadd.s32 s3, s1;
	s25 =	spop (v2sf)  }
0x72: {  	[tilespmem:s19], [sflag:$0x1] =	stream.linear.gather [hbm4b:s1+s17], $0x80, $0x38;
	[tilespmem:$0x8100] =	vst v63  }
0x73: {  	s26 =	sand.u32 $0x1FFFFFF0, s25;
	s28 =	spop (v2sf);
	s0 =	sadd.s32 s3, s24  }
0x74: {  	[tilespmem:s20], [sflag:$0x1] =	stream.linear.gather [hbm4b:s0+s17], $0x80, $0x38;
	[tilespmem:$0x8100] =	vst v63  }
0x75: {  	s30 =	sadd.s32 $0x800, s18;
	s29 =	sand.u32 $0x1FFFFFF0, s28;
	s1 =	sadd.s32 s3, s26  }
0x76: {  	[tilespmem:s30], [sflag:$0x1] =	stream.linear.gather [hbm4b:s1+s17], $0x80, $0x38;
	[tilespmem:$0x8100] =	vst v63  }
0x77: {  	s31 =	sadd.s32 $0x880, s18;
	s18 =	simm.s32 $0x80;
	s0 =	sadd.s32 s3, s29  }
0x78: {  	[tilespmem:s31], [sflag:$0x1] =	stream.linear.gather [hbm4b:s0+s17], $0x80, $0x38;
	[tilespmem:$0x8100] =	vst v63  }
0x79: {  	v0 =	vld [tilespmem:s18+$0x0];
	_ =	sdelay $0x4  }
0x7a: {  	v0 =	vshll.u32 v0, $0x4  }
0x7b: {  	(v2sf) =	vpush v0, $0x0  }
0x7c: {  	(v2sf) =	vpush v0, $0x1  }
0x7d: {  	(v2sf) =	vpush v0, $0x2;
	_ =	sdelay $0x1  }
0x7e: {  	(v2sf) =	vpush v0, $0x4;
	_ =	sdelay $0x1  }
0x7f: {  	(v2sf) =	vpush v0, $0x3  }
0x80: {  	(v2sf) =	vpush v0, $0x5  }
0x81: {  	s19 =	simm.s32 $0x2000;
	s17 =	simm.s32 $0x0;
	(v2sf) =	vpush v0, $0x6  }
.LBB2_4:
0x82: {  	p0 =	sne.s32 s19, $0xE000  }
0x83: {  	s0 =	sadd.s32 $0x4180, s17;
	s23 =	sadd.s32 $0x4680, s17;
	s20 =	smov.u32 s19  }
0x84: {  	s19 =	sadd.s32 $0x2000, s19;
	s26 =	sadd.s32 $0x4480, s17;
	s21 =	sadd.s32 $0x4700, s17;
	(v2sf) =	vpush v0, $0x7  }
0x85: {  	s29 =	sadd.s32 $0x4380, s17;
	s25 =	sadd.s32 $0x4500, s17;
	s22 =	sadd.s32 $0x4780, s17  }
0x86: {  	s1 =	sadd.s32 $0x4100, s17;
	s5 =	sadd.s32 $0x4300, s17;
	(v2sf) =	vpush v0, $0x8  }
0x87: {  	s6 =	sadd.s32 $0x4400, s17;
	s18 =	sadd.s32 $0x10, s18  }
0x88: {  	s11 =	sadd.s32 $0x4200, s17;
	s24 =	sadd.s32 $0x4600, s17;
	s14 =	spop (v2sf);
	(v2sf) =	vpush v0, $0x9  }
0x89: {  	s28 =	sadd.s32 $0x4580, s17;
	s14 =	sand.u32 $0x1FFFFFF0, s14;
	s15 =	spop (v2sf)  }
0x8a: {  	s14 =	sadd.s32 s4, s14;
	s15 =	sand.u32 $0x1FFFFFF0, s15;
	s30 =	spop (v2sf);
	(v2sf) =	vpush v0, $0xA  }
0x8b: {  	[tilespmem:s1], [sflag:$0x2] =	stream.linear.gather [hbm4b:s14+s2], $0x80, $0x38;
	[tilespmem:$0x8100] =	vst v63  }
0x8c: {  	s1 =	sadd.s32 s4, s15;
	s14 =	sadd.s32 $0x4280, s17;
	s15 =	spop (v2sf);
	(v2sf) =	vpush v0, $0xB  }
0x8d: {  	[tilespmem:s0], [sflag:$0x2] =	stream.linear.gather [hbm4b:s1+s2], $0x80, $0x38;
	[tilespmem:$0x8100] =	vst v63  }
0x8e: {  	s0 =	sand.u32 $0x1FFFFFF0, s30;
	s1 =	sand.u32 $0x1FFFFFF0, s15;
	s15 =	spop (v2sf);
	(v2sf) =	vpush v0, $0xC  }
0x8f: {  	s0 =	sadd.s32 s4, s0;
	s15 =	sand.u32 $0x1FFFFFF0, s15;
	s30 =	spop (v2sf)  }
0x90: {  	[tilespmem:s11], [sflag:$0x2] =	stream.linear.gather [hbm4b:s0+s2], $0x80, $0x38;
	(v2sf) =	vpush v0, $0xD;
	[tilespmem:$0x8100] =	vst v63  }
0x91: {  	s0 =	sadd.s32 s4, s15;
	s11 =	sand.u32 $0x1FFFFFF0, s30;
	s15 =	spop (v2sf)  }
0x92: {  	[tilespmem:s14], [sflag:$0x2] =	stream.linear.gather [hbm4b:s0+s2], $0x80, $0x38;
	(v2sf) =	vpush v0, $0xE;
	[tilespmem:$0x8100] =	vst v63  }
0x93: {  	s0 =	sadd.s32 s4, s1;
	s1 =	sand.u32 $0x1FFFFFF0, s15;
	s14 =	spop (v2sf)  }
0x94: {  	[tilespmem:s5], [sflag:$0x2] =	stream.linear.gather [hbm4b:s0+s2], $0x80, $0x38;
	(v2sf) =	vpush v0, $0xF;
	[tilespmem:$0x8100] =	vst v63  }
0x95: {  	s0 =	sadd.s32 s4, s11;
	s5 =	sand.u32 $0x1FFFFFF0, s14;
	s11 =	spop (v2sf)  }
0x96: {  	[tilespmem:s29], [sflag:$0x2] =	stream.linear.gather [hbm4b:s0+s2], $0x80, $0x38;
	[tilespmem:$0x8100] =	vst v63  }
0x97: {  	s0 =	sadd.s32 s4, s1;
	s1 =	sand.u32 $0x1FFFFFF0, s11;
	s11 =	spop (v2sf)  }
0x98: {  	[tilespmem:s6], [sflag:$0x2] =	stream.linear.gather [hbm4b:s0+s2], $0x80, $0x38;
	[tilespmem:$0x8100] =	vst v63  }
0x99: {  	s0 =	sadd.s32 s4, s5;
	s5 =	sand.u32 $0x1FFFFFF0, s11;
	s6 =	spop (v2sf)  }
0x9a: {  	[tilespmem:s26], [sflag:$0x2] =	stream.linear.gather [hbm4b:s0+s2], $0x80, $0x38;
	[tilespmem:$0x8100] =	vst v63  }
0x9b: {  	s0 =	sadd.s32 s4, s1;
	s1 =	sand.u32 $0x1FFFFFF0, s6;
	s6 =	spop (v2sf)  }
0x9c: {  	[tilespmem:s25], [sflag:$0x2] =	stream.linear.gather [hbm4b:s0+s2], $0x80, $0x38;
	[tilespmem:$0x8100] =	vst v63  }
0x9d: {  	s0 =	sadd.s32 s4, s5;
	s5 =	sand.u32 $0x1FFFFFF0, s6;
	s6 =	spop (v2sf)  }
0x9e: {  	[tilespmem:s28], [sflag:$0x2] =	stream.linear.gather [hbm4b:s0+s2], $0x80, $0x38;
	[tilespmem:$0x8100] =	vst v63  }
0x9f: {  	s0 =	sadd.s32 s4, s1;
	s1 =	sand.u32 $0x1FFFFFF0, s6;
	s6 =	spop (v2sf)  }
0xa0: {  	[tilespmem:s24], [sflag:$0x2] =	stream.linear.gather [hbm4b:s0+s2], $0x80, $0x38;
	[tilespmem:$0x8100] =	vst v63  }
0xa1: {  	s0 =	sadd.s32 s4, s5;
	s5 =	sand.u32 $0x1FFFFFF0, s6;
	s6 =	spop (v2sf)  }
0xa2: {  	[tilespmem:s23], [sflag:$0x2] =	stream.linear.gather [hbm4b:s0+s2], $0x80, $0x38;
	[tilespmem:$0x8100] =	vst v63  }
0xa3: {  	s0 =	sadd.s32 s4, s1;
	s1 =	sand.u32 $0x1FFFFFF0, s6;
	s6 =	spop (v2sf)  }
0xa4: {  	[tilespmem:s21], [sflag:$0x2] =	stream.linear.gather [hbm4b:s0+s2], $0x80, $0x38;
	[tilespmem:$0x8100] =	vst v63  }
0xa5: {  	s0 =	sadd.s32 s4, s5;
	s5 =	sand.u32 $0x1FFFFFF0, s6  }
0xa6: {  	[tilespmem:s22], [sflag:$0x2] =	stream.linear.gather [hbm4b:s0+s2], $0x80, $0x38;
	[tilespmem:$0x8100] =	vst v63  }
0xa7: {  	s1 =	sadd.s32 s4, s1;
	s0 =	sadd.s32 $0x4800, s17  }
0xa8: {  	[tilespmem:s0], [sflag:$0x2] =	stream.linear.gather [hbm4b:s1+s2], $0x80, $0x38;
	[tilespmem:$0x8100] =	vst v63  }
0xa9: {  	s0 =	sadd.s32 $0x4880, s17;
	s1 =	sadd.s32 s4, s5  }
0xaa: {  	[tilespmem:s0], [sflag:$0x2] =	stream.linear.gather [hbm4b:s1+s2], $0x80, $0x38;
	[tilespmem:$0x8100] =	vst v63  }
0xab: {  	v0 =	vld [tilespmem:s18+$0x0];
	_ =	sdelay $0x4  }
0xac: {  	v0 =	vshll.u32 v0, $0x4  }
0xad: {  	(v2sf) =	vpush v0, $0x0  }
0xae: {  	(v2sf) =	vpush v0, $0x1  }
0xaf: {  	(v2sf) =	vpush v0, $0x2;
	_ =	sdelay $0x1  }
0xb0: {  	(v2sf) =	vpush v0, $0x4  }
.Ltmp1:
0xb1: {  	(pc) =	sbr.rel @p0 .LBB2_4-.Ltmp1, $3  }
0xb2: {  	(v2sf) =	vpush v0, $0x3  }
0xb3: {  	(v2sf) =	vpush v0, $0x5;
	_ =	sdelay $0x1  }
0xb4: {  	s17 =	sshra.s32 s20, $0x2;
	(v2sf) =	vpush v0, $0x6  }
0xb5: {  	_ =	sdelay $0x5  }
0xb6: {  	s0 =	spop (v2sf)  }
0xb7: {  	s1 =	spop (v2sf)  }
0xb8: {  	s15 =	spop (v2sf)  }
0xb9: {  	s20 =	spop (v2sf);
	(v2sf) =	vpush v0, $0x7  }
0xba: {  	s0 =	sand.u32 $0x1FFFFFF0, s0  }
0xbb: {  	s5 =	sadd.s32 $0x4100, s17;
	s0 =	sadd.s32 s4, s0  }
0xbc: {  	[tilespmem:s5], [sflag:$0x2] =	stream.linear.gather [hbm4b:s0+s2], $0x80, $0x38;
	[tilespmem:$0x8100] =	vst v63  }
0xbd: {  	s1 =	sand.u32 $0x1FFFFFF0, s1;
	s21 =	spop (v2sf);
	(v2sf) =	vpush v0, $0x8  }
0xbe: {  	s14 =	sadd.s32 $0x4180, s17;
	s1 =	sadd.s32 s4, s1  }
0xbf: {  	[tilespmem:s14], [sflag:$0x2] =	stream.linear.gather [hbm4b:s1+s2], $0x80, $0x38;
	[tilespmem:$0x8100] =	vst v63  }
0xc0: {  	s18 =	sand.u32 $0x1FFFFFF0, s15;
	s25 =	spop (v2sf);
	(v2sf) =	vpush v0, $0x9  }
0xc1: {  	s19 =	sadd.s32 $0x4200, s17;
	s0 =	sadd.s32 s4, s18  }
0xc2: {  	[tilespmem:s19], [sflag:$0x2] =	stream.linear.gather [hbm4b:s0+s2], $0x80, $0x38;
	[tilespmem:$0x8100] =	vst v63  }
0xc3: {  	s0 =	sand.u32 $0x1FFFFFF0, s21;
	s28 =	spop (v2sf);
	(v2sf) =	vpush v0, $0xA  }
0xc4: {  	s22 =	sadd.s32 $0x4280, s17;
	s23 =	sand.u32 $0x1FFFFFF0, s20;
	s0 =	sadd.s32 s4, s0  }
0xc5: {  	[tilespmem:s22], [sflag:$0x2] =	stream.linear.gather [hbm4b:s0+s2], $0x80, $0x38;
	[tilespmem:$0x8100] =	vst v63  }
0xc6: {  	s24 =	sadd.s32 $0x4300, s17;
	s0 =	sadd.s32 s4, s23  }
0xc7: {  	[tilespmem:s24], [sflag:$0x2] =	stream.linear.gather [hbm4b:s0+s2], $0x80, $0x38;
	[tilespmem:$0x8100] =	vst v63  }
0xc8: {  	s0 =	sand.u32 $0x1FFFFFF0, s25;
	s30 =	spop (v2sf);
	(v2sf) =	vpush v0, $0xB  }
0xc9: {  	s26 =	sadd.s32 $0x4380, s17;
	s0 =	sadd.s32 s4, s0  }
0xca: {  	[tilespmem:s26], [sflag:$0x2] =	stream.linear.gather [hbm4b:s0+s2], $0x80, $0x38;
	[tilespmem:$0x8100] =	vst v63  }
0xcb: {  	s0 =	sand.u32 $0x1FFFFFF0, s28  }
0xcc: {  	s29 =	sadd.s32 $0x4400, s17;
	s0 =	sadd.s32 s4, s0;
	s5 =	spop (v2sf);
	(v2sf) =	vpush v0, $0xC  }
0xcd: {  	[tilespmem:s29], [sflag:$0x2] =	stream.linear.gather [hbm4b:s0+s2], $0x80, $0x38;
	[tilespmem:$0x8100] =	vst v63  }
0xce: {  	s0 =	sand.u32 $0x1FFFFFF0, s30  }
0xcf: {  	s31 =	sadd.s32 $0x4480, s17;
	s0 =	sadd.s32 s4, s0;
	s11 =	spop (v2sf);
	(v2sf) =	vpush v0, $0xD  }
0xd0: {  	[tilespmem:s31], [sflag:$0x2] =	stream.linear.gather [hbm4b:s0+s2], $0x80, $0x38;
	[tilespmem:$0x8100] =	vst v63  }
0xd1: {  	s0 =	sand.u32 $0x1FFFFFF0, s5  }
0xd2: {  	s6 =	sadd.s32 $0x4500, s17;
	s0 =	sadd.s32 s4, s0;
	s15 =	spop (v2sf);
	(v2sf) =	vpush v0, $0xE  }
0xd3: {  	[tilespmem:s6], [sflag:$0x2] =	stream.linear.gather [hbm4b:s0+s2], $0x80, $0x38;
	[tilespmem:$0x8100] =	vst v63  }
0xd4: {  	s0 =	sand.u32 $0x1FFFFFF0, s11  }
0xd5: {  	s14 =	sadd.s32 $0x4580, s17;
	s0 =	sadd.s32 s4, s0  }
0xd6: {  	[tilespmem:s14], [sflag:$0x2] =	stream.linear.gather [hbm4b:s0+s2], $0x80, $0x38;
	[tilespmem:$0x8100] =	vst v63  }
0xd7: {  	s0 =	sand.u32 $0x1FFFFFF0, s15;
	s19 =	spop (v2sf);
	(v2sf) =	vpush v0, $0xF  }
0xd8: {  	s18 =	sadd.s32 $0x4600, s17;
	s0 =	sadd.s32 s4, s0  }
0xd9: {  	[tilespmem:s18], [sflag:$0x2] =	stream.linear.gather [hbm4b:s0+s2], $0x80, $0x38;
	[tilespmem:$0x8100] =	vst v63  }
0xda: {  	s0 =	sand.u32 $0x1FFFFFF0, s19  }
0xdb: {  	s20 =	sadd.s32 $0x4680, s17;
	s0 =	sadd.s32 s4, s0;
	s21 =	spop (v2sf)  }
0xdc: {  	[tilespmem:s20], [sflag:$0x2] =	stream.linear.gather [hbm4b:s0+s2], $0x80, $0x38;
	[tilespmem:$0x8100] =	vst v63  }
0xdd: {  	s0 =	sand.u32 $0x1FFFFFF0, s21  }
0xde: {  	s22 =	sadd.s32 $0x4700, s17;
	s23 =	spop (v2sf);
	s0 =	sadd.s32 s4, s0  }
0xdf: {  	[tilespmem:s22], [sflag:$0x2] =	stream.linear.gather [hbm4b:s0+s2], $0x80, $0x38;
	[tilespmem:$0x8100] =	vst v63  }
0xe0: {  	s0 =	sand.u32 $0x1FFFFFF0, s23  }
0xe1: {  	s24 =	sadd.s32 $0x4780, s17;
	s25 =	spop (v2sf);
	s0 =	sadd.s32 s4, s0  }
0xe2: {  	[tilespmem:s24], [sflag:$0x2] =	stream.linear.gather [hbm4b:s0+s2], $0x80, $0x38;
	[tilespmem:$0x8100] =	vst v63  }
0xe3: {  	s0 =	sand.u32 $0x1FFFFFF0, s25  }
0xe4: {  	s26 =	sadd.s32 $0x4800, s17;
	s0 =	sadd.s32 s4, s0  }
0xe5: {  	[tilespmem:s26], [sflag:$0x2] =	stream.linear.gather [hbm4b:s0+s2], $0x80, $0x38;
	[tilespmem:$0x8100] =	vst v63  }
0xe6: {  	s28 =	spop (v2sf)  }
0xe7: {  	s0 =	sand.u32 $0x1FFFFFF0, s28  }
0xe8: {  	s29 =	sadd.s32 $0x4880, s17;
	s0 =	sadd.s32 s4, s0  }
0xe9: {  	[tilespmem:s29], [sflag:$0x2] =	stream.linear.gather [hbm4b:s0+s2], $0x80, $0x38;
	[tilespmem:$0x8100] =	vst v63  }
0xea: {  	_ =	swait.ge [sflag:s12], $0x4000  }
0xeb: {  	[sflag:s12] =	ssyncset.done $0x0  }
0xec: {  	[sflag:s12] =	ssyncadd.s32 $0xFFFFC000  }
0xed: {  	_ =	swait.ge [sflag:s13], $0x4000  }
0xee: {  	[sflag:s13] =	ssyncset.done $0x0  }
0xef: {  	s30 =	simm.s32 $0x100;
	[sflag:s13] =	ssyncadd.s32 $0xFFFFC000  }
0xf0: {  	[hbm4b:s7+s2] =	stream.linear.scatter [tilespmem:s30], [sflag:$0x3], $0x4000, $0x38;
	[tilespmem:$0x8100] =	vst v63  }
0xf1: {  	s16 =	sadd.s32 $0x1, s16;
	_ =	swait.ge [sflag:s10], $0x4000  }
0xf2: {  	p0 =	sne.s32 s16, s9;
	[sflag:s10] =	ssyncset.done $0x0  }
.Ltmp2:
0xf3: {  	s31 =	simm.s32 $0x4100;
	[sflag:s10] =	ssyncadd.s32 $0xFFFFC000;
	(pc) =	sbr.rel @p0 .LBB2_1-.Ltmp2, $4  }
0xf4: {  	[hbm4b:s8+s2] =	stream.linear.scatter [tilespmem:s31], [sflag:$0x3], $0x4000, $0x38;
	[tilespmem:$0x8100] =	vst v63  }
0xf5: {  	_ =	swait.ge [sflag:s10], $0x4000  }
0xf6: {  	[sflag:s10] =	ssyncset.done $0x0  }
0xf7: {  	[sflag:s10] =	ssyncadd.s32 $0xFFFFC000  }
0xf8: {  	_ =	sfence.sel $0x180000  }
0xf9: {  	[bflag:$0x0] =	sbarrier.arrive $0xFFFF  }
0xfa: {  	_ =	strace $0x90000047  }
0xfb: {  	s0 =	stileid.u32;
	[bflag:$0x2] =	sbarrier.arrive $0xFFFF  }
0xfc: {  	p0 =	sne.s32 s0, $0x0;
	s0 =	rddreg [dreg:$0x3]  }
0xfd: {  	s0 =	sadd.s32 @!p0 $0x100000, s0  }
0xfe: {  	[sflag:s0] =	ssyncadd.tile.s32 @!p0 $0x1;
	_ =	shalt  }
.Lfunc_end2:
_tile_overlayer_lowered:
.L_overlay_start_2:
0xff: {  	(tag) =	ssettag $0x2  }
0x100: {  	s0 =	rddreg [dreg:$0x0];
	s2 =	stileid.u32  }
0x101: {  	s1 =	rddreg [dreg:$0x1];
	p0 =	sne.s32 s2, $0x0  }
0x102: {  	s3 =	rddreg [dreg:$0x2];
	[bflag:$0x3] =	sbarrier.arrive $0xFFFF;
	s2 =	simm.s32 @!p0 $0x1C03  }
0x103: {  	[timem:s3], [sflag:s2] =	dma.local @!p0 [hbm:s0], s1  }
0x104: {  	s0 =	simm.s32 @!p0 $0x3  }
0x105: {  	_ =	swait.ge @!p0 [sflag:s0], s1  }
0x106: {  	s1 =	ssub.s32 @!p0 $0x0, s1;
	[sflag:s0] =	ssyncset.done @!p0 $0x0  }
0x107: {  	[sflag:s0] =	ssyncadd.s32 @!p0 s1  }
0x108: {  	[bflag:$0x3] =	sbarrier.arrive $0xFFFF  }
0x109: {  	_ =	shalt  }

</sc_bundles>
